<compile_context>
chip_gen: v7x
topology: tpu7x:2x2x1
jax: 0.10.2.dev20260603
libtpu: 0.0.44.dev20260713+nightly
codegen_flags: <defaults>
</compile_context>

<pallas_src>
import jax
import jax.numpy as jnp
from jax import lax
from jax.experimental import pallas as pl
from jax.experimental.pallas import tpu as pltpu
from jax.experimental.pallas import tpu_sc as plsc

N_NODES = 100000
N_EDGES = 3200000

LANE = 128
NPAD = 100096
SEG = NPAD // 16
ROWS = 25088
ROWS_PER_TILE = ROWS // 32
CHUNK = 56
NCHUNK = ROWS_PER_TILE // CHUNK

_f32 = jnp.float32
_i32 = jnp.int32

_MESH = plsc.VectorSubcoreMesh(core_axis_name="c", subcore_axis_name="s",
                               num_cores=2, num_subcores=16)


def _sc_pass_body(with_cnt, src_hbm, dst_hbm, tab_hbm, zseg_hbm, drain_hbm,
                  ones_hbm, agg_out, cnt_out, tab_sp, agg_sp, cnt_sp,
                  srcv_a, dstv_a, vals_a, srcv_b, dstv_b, vals_b,
                  onesv, stage, semi, semg, sems):
    cid = lax.axis_index("c")
    sid = lax.axis_index("s")
    seg = sid * SEG

    pltpu.sync_copy(zseg_hbm, stage)
    pltpu.sync_copy(stage, agg_sp.at[pl.ds(seg, SEG)])
    if with_cnt:
        pltpu.sync_copy(stage, cnt_sp.at[pl.ds(seg, SEG)])
        pltpu.sync_copy(ones_hbm, onesv)
    pltpu.sync_copy(tab_hbm.at[pl.ds(seg, SEG)], stage)
    pltpu.sync_copy(stage, tab_sp.at[pl.ds(seg, SEG)])
    plsc.subcore_barrier()

    row0 = (cid * 16 + sid) * ROWS_PER_TILE
    n_sc_sets = 2 if with_cnt else 1

    def fire_idx(t, sv, dv):
        rr = row0 + jnp.minimum(t, NCHUNK - 1) * CHUNK
        pltpu.async_copy(src_hbm.at[pl.ds(rr, CHUNK)], sv, semi)
        pltpu.async_copy(dst_hbm.at[pl.ds(rr, CHUNK)], dv, semi)

    def wait_idx(sv, dv):
        pltpu.make_async_copy(src_hbm.at[pl.ds(0, CHUNK)], sv, semi).wait()
        pltpu.make_async_copy(src_hbm.at[pl.ds(0, CHUNK)], dv, semi).wait()

    def fire_gathers(sv, vv):
        def g(j, c):
            pltpu.async_copy(tab_sp.at[sv.at[j]], vv.at[j], semg)
            return c

        lax.fori_loop(0, CHUNK, g, 0)

    def drain(sem, n):
        for _ in range(n):
            pltpu.make_async_copy(drain_hbm, vals_a, sem).wait()

    def fire_scatters(vv, dv):
        if with_cnt:
            def gc(j, c):
                pltpu.async_copy(onesv, cnt_sp.at[dv.at[j]], sems, add=True)
                return c

            lax.fori_loop(0, CHUNK, gc, 0)

        def ga(j, c):
            pltpu.async_copy(vv.at[j], agg_sp.at[dv.at[j]], sems, add=True)
            return c

        lax.fori_loop(0, CHUNK, ga, 0)

    def phase(t, this_bufs, next_bufs, drain_prev):
        sv, dv, vv = this_bufs
        svn, dvn, vvn = next_bufs
        if drain_prev is None:
            drain(sems, n_sc_sets)
        else:
            @pl.when(drain_prev)
            def _():
                drain(sems, n_sc_sets)
        fire_idx(t + 1, svn, dvn)
        drain(semg, 1)
        fire_scatters(vv, dv)
        wait_idx(svn, dvn)
        fire_gathers(svn, vvn)

    fire_idx(0, srcv_a, dstv_a)
    wait_idx(srcv_a, dstv_a)
    fire_gathers(srcv_a, vals_a)

    bufs_a = (srcv_a, dstv_a, vals_a)
    bufs_b = (srcv_b, dstv_b, vals_b)

    def pair_body(u, carry):
        t = u * 2
        phase(t, bufs_a, bufs_b, u > 0)
        phase(t + 1, bufs_b, bufs_a, None)
        return carry

    lax.fori_loop(0, NCHUNK // 2, pair_body, 0)

    drain(sems, n_sc_sets)
    drain(semg, 1)

    plsc.subcore_barrier()

    oseg = cid * NPAD + seg
    pltpu.sync_copy(agg_sp.at[pl.ds(seg, SEG)], stage)
    pltpu.sync_copy(stage, agg_out.at[pl.ds(oseg, SEG)])
    if with_cnt:
        pltpu.sync_copy(cnt_sp.at[pl.ds(seg, SEG)], stage)
        pltpu.sync_copy(stage, cnt_out.at[pl.ds(oseg, SEG)])


def _make_sc_pass(with_cnt):
    out_type = [jax.ShapeDtypeStruct((2 * NPAD,), _f32)]
    scratch = [
        pltpu.VMEM_SHARED((NPAD,), _f32),
        pltpu.VMEM_SHARED((NPAD,), _f32),
        pltpu.VMEM((CHUNK, LANE), _i32),
        pltpu.VMEM((CHUNK, LANE), _i32),
        pltpu.VMEM((CHUNK, LANE), _f32),
        pltpu.VMEM((CHUNK, LANE), _i32),
        pltpu.VMEM((CHUNK, LANE), _i32),
        pltpu.VMEM((CHUNK, LANE), _f32),
        pltpu.VMEM((LANE,), _f32),
        pltpu.VMEM((SEG,), _f32),
        pltpu.SemaphoreType.DMA,
        pltpu.SemaphoreType.DMA,
        pltpu.SemaphoreType.DMA,
    ]
    if with_cnt:
        out_type = out_type + [jax.ShapeDtypeStruct((2 * NPAD,), _f32)]
        scratch = scratch[:2] + [pltpu.VMEM_SHARED((NPAD,), _f32)] + scratch[2:]

    if with_cnt:
        def body(src_hbm, dst_hbm, tab_hbm, zseg_hbm, drain_hbm, ones_hbm,
                 agg_out, cnt_out, tab_sp, agg_sp, cnt_sp,
                 srcv_a, dstv_a, vals_a, srcv_b, dstv_b, vals_b,
                 onesv, stage, semi, semg, sems):
            _sc_pass_body(True, src_hbm, dst_hbm, tab_hbm, zseg_hbm, drain_hbm,
                          ones_hbm, agg_out, cnt_out, tab_sp, agg_sp, cnt_sp,
                          srcv_a, dstv_a, vals_a, srcv_b, dstv_b, vals_b,
                          onesv, stage, semi, semg, sems)
    else:
        def body(src_hbm, dst_hbm, tab_hbm, zseg_hbm, drain_hbm, ones_hbm,
                 agg_out, tab_sp, agg_sp,
                 srcv_a, dstv_a, vals_a, srcv_b, dstv_b, vals_b,
                 onesv, stage, semi, semg, sems):
            _sc_pass_body(False, src_hbm, dst_hbm, tab_hbm, zseg_hbm, drain_hbm,
                          ones_hbm, agg_out, None, tab_sp, agg_sp, None,
                          srcv_a, dstv_a, vals_a, srcv_b, dstv_b, vals_b,
                          onesv, stage, semi, semg, sems)

    return pl.kernel(body, out_type=out_type, mesh=_MESH, scratch_types=scratch,
                     compiler_params=pltpu.CompilerParams(
                         needs_layout_passes=False),
                     name="sage_sc_pass1" if with_cnt else "sage_sc_pass2")


_sc_pass1 = _make_sc_pass(True)
_sc_pass2 = _make_sc_pass(False)


def _mid_body(aggp_ref, cntp_ref, xp_ref, w_ref, s_ref, tpb_ref, degc_ref):
    agg = aggp_ref[0] + aggp_ref[1]
    deg = cntp_ref[0] + cntp_ref[1]
    degc = jnp.maximum(deg, 1.0)
    a = agg / degc
    xv = xp_ref[...]
    s = jnp.zeros_like(a)
    t = jnp.zeros_like(a)
    for k in range(16):
        h = jnp.maximum(a * w_ref[0, k] + xv * w_ref[1, k] + w_ref[2, k], 0.0)
        s = s + w_ref[3, k] * h
        t = t + w_ref[4, k] * h
    s_ref[...] = s
    tpb_ref[...] = t + w_ref[5, 0]
    degc_ref[...] = degc


_mid_tc = pl.pallas_call(
    _mid_body,
    out_shape=[jax.ShapeDtypeStruct((NPAD // LANE, LANE), _f32)] * 3,
    in_specs=[
        pl.BlockSpec(memory_space=pltpu.VMEM),
        pl.BlockSpec(memory_space=pltpu.VMEM),
        pl.BlockSpec(memory_space=pltpu.VMEM),
        pl.BlockSpec(memory_space=pltpu.SMEM),
    ],
    out_specs=[pl.BlockSpec(memory_space=pltpu.VMEM)] * 3,
    name="sage_tc_mid",
)


def _final_body(aggp_ref, degc_ref, tpb_ref, out_ref):
    out_ref[...] = (aggp_ref[0] + aggp_ref[1]) / degc_ref[...] + tpb_ref[...]


_final_tc = pl.pallas_call(
    _final_body,
    out_shape=jax.ShapeDtypeStruct((NPAD // LANE, LANE), _f32),
    in_specs=[pl.BlockSpec(memory_space=pltpu.VMEM)] * 3,
    out_specs=pl.BlockSpec(memory_space=pltpu.VMEM),
    name="sage_tc_final",
)


def kernel(x, edge_index, W1_l, b1, W1_r, W2_l, b2, W2_r):
    xf = x[:, 0].astype(_f32)
    xpad = jnp.concatenate([xf, jnp.zeros((NPAD - N_NODES,), _f32)])

    src = edge_index[0].astype(_i32)
    dst = edge_index[1].astype(_i32)
    npe = ROWS * LANE - N_EDGES
    pad_ids = lax.iota(_i32, npe)
    src_pad = pad_ids % N_NODES
    dst_pad = N_NODES + pad_ids % (NPAD - N_NODES)
    src2d = jnp.concatenate([src, src_pad]).reshape(ROWS, LANE)
    dst2d = jnp.concatenate([dst, dst_pad]).reshape(ROWS, LANE)

    zseg = jnp.zeros((SEG,), _f32)
    drain = jnp.zeros((CHUNK, LANE), _f32)
    ones = jnp.ones((LANE,), _f32)
    w = jnp.stack([
        W1_l[:, 0], W1_r[:, 0], b1, W2_l[0, :], W2_r[0, :],
        jnp.full((16,), b2[0], dtype=_f32),
    ]).astype(_f32)

    agg1p, cntp = _sc_pass1(src2d, dst2d, xpad, zseg, drain, ones)
    s, tpb, degc = _mid_tc(
        agg1p.reshape(2, NPAD // LANE, LANE),
        cntp.reshape(2, NPAD // LANE, LANE),
        xpad.reshape(NPAD // LANE, LANE), w)
    (agg2p,) = _sc_pass2(src2d, dst2d, s.reshape(NPAD), zseg, drain, ones)
    out = _final_tc(agg2p.reshape(2, NPAD // LANE, LANE), degc, tpb)
    return out.reshape(NPAD)[:N_NODES].reshape(N_NODES, 1)

# --- scband reference (transcript-rebuilt; emitter-appended) ---
"""Pipeline reference for scband-two-sage-layers-6923487281239 (READ-ONLY COPY).

The authoritative reference and input builder live on the scoring server;
editing this copy changes nothing except your own understanding.
"""

import jax, jax.numpy as jnp
import numpy as np

N_NODES = 100000
N_EDGES = 3200000
OUT_CHANNELS = 8
HIDDEN = 2 * OUT_CHANNELS  # 16

def glorot(key, shape):
    fan_in, fan_out = shape[1], shape[0]
    lim = jnp.sqrt(6.0 / (fan_in + fan_out))
    return jax.random.uniform(key, shape, minval=-lim, maxval=lim, dtype=jnp.float32)

def setup_inputs(seed: int = 0) -> dict:
    key = jax.random.key(seed)
    ks = jax.random.split(key, 8)
    x = jax.random.normal(ks[0], (N_NODES, 1), dtype=jnp.float32)
    edge_index = jax.random.randint(ks[1], (2, N_EDGES), 0, N_NODES, dtype=jnp.int64)
    # SAGEConv layer 1: in=1, out=HIDDEN
    W1_l = glorot(ks[2], (HIDDEN, 1))   # applied to aggregated neighbor feats
    b1 = jnp.zeros((HIDDEN,), dtype=jnp.float32)
    W1_r = glorot(ks[3], (HIDDEN, 1))   # applied to root feats
    # SAGEConv layer 2: in=HIDDEN, out=1
    W2_l = glorot(ks[4], (1, HIDDEN))
    b2 = jnp.zeros((1,), dtype=jnp.float32)
    W2_r = glorot(ks[5], (1, HIDDEN))
    return {"x": x, "edge_index": edge_index, "W1_l": W1_l, "b1": b1, "W1_r": W1_r,
            "W2_l": W2_l, "b2": b2, "W2_r": W2_r}

def _sage_conv(x, edge_index, W_l, b_l, W_r):
    # PyG SAGEConv with mean aggregation:
    # out = lin_l(mean_{j in N(i)} x_j) + lin_r(x_i)
    src = edge_index[0]
    dst = edge_index[1]
    msg = jnp.take(x, src, axis=0)                              # gather [E, d]
    agg = jax.ops.segment_sum(msg, dst, num_segments=N_NODES)    # scatter-add [N, d]
    deg = jax.ops.segment_sum(jnp.ones((edge_index.shape[1],), dtype=x.dtype), dst,
                              num_segments=N_NODES)
    mean = agg / jnp.clip(deg, 1.0, None)[:, None]
    return mean @ W_l.T + b_l + x @ W_r.T

def reference(x, edge_index, W1_l, b1, W1_r, W2_l, b2, W2_r):
    h = _sage_conv(x, edge_index, W1_l, b1, W1_r)
    h = jax.nn.relu(h)
    out = _sage_conv(h, edge_index, W2_l, b2, W2_r)
    return out

if __name__ == "__main__":
    import jax
    _d = setup_inputs()
    print(jax.jit(kernel)(*tuple(_d.values())))

</pallas_src>

<mosaic_0001>
#map = affine_map<(d0, d1) -> (0, 0)>
#map1 = affine_map<(d0, d1) -> (0)>
module attributes {stable_mosaic.version = 14 : i64} {
  func.func @sage_sc_pass2(%arg0: i32, %arg1: i32, %arg2: memref<25088x128xi32, #tpu.memory_space<hbm>>, %arg3: memref<25088x128xi32, #tpu.memory_space<hbm>>, %arg4: memref<100096xf32, #tpu.memory_space<hbm>>, %arg5: memref<6256xf32, #tpu.memory_space<hbm>>, %arg6: memref<56x128xf32, #tpu.memory_space<hbm>>, %arg7: memref<128xf32, #tpu.memory_space<hbm>>, %arg8: memref<200192xf32, #tpu.memory_space<hbm>>, %arg9: memref<100096xf32, #tpu.memory_space<vmem_shared>>, %arg10: memref<100096xf32, #tpu.memory_space<vmem_shared>>, %arg11: memref<56x128xi32, #tpu.memory_space<vmem>>, %arg12: memref<56x128xi32, #tpu.memory_space<vmem>>, %arg13: memref<56x128xf32, #tpu.memory_space<vmem>>, %arg14: memref<56x128xi32, #tpu.memory_space<vmem>>, %arg15: memref<56x128xi32, #tpu.memory_space<vmem>>, %arg16: memref<56x128xf32, #tpu.memory_space<vmem>>, %arg17: memref<128xf32, #tpu.memory_space<vmem>>, %arg18: memref<6256xf32, #tpu.memory_space<vmem>>, %arg19: memref<!tpu.dma_semaphore, #tpu.memory_space<semaphore_mem>>, %arg20: memref<!tpu.dma_semaphore, #tpu.memory_space<semaphore_mem>>, %arg21: memref<!tpu.dma_semaphore, #tpu.memory_space<semaphore_mem>>) attributes {dimension_semantics = [#tpu.dimension_semantics<core_parallel>, #tpu.dimension_semantics<subcore_parallel>], iteration_bounds = array<i64: 2, 16>, scalar_prefetch = 0 : i64, scratch_operands = 13 : i64, tpu.core_type = #tpu.core_type<sc_vector_subcore>, window_params = [{transform_indices = #map}, {transform_indices = #map}, {transform_indices = #map1}, {transform_indices = #map1}, {transform_indices = #map}, {transform_indices = #map1}, {transform_indices = #map1}]} {
    %mul3A = arith.constant 6256 : i32
    %mul3A_0 = arith.muli %arg1, %mul3A : i32
    "tpu.region"() ({
      %run_scoped3A = tpu.sem_alloc : memref<!tpu.dma_semaphore, #tpu.memory_space<semaphore_mem>>
      tpu.enqueue_dma source(%arg5 : memref<6256xf32, #tpu.memory_space<hbm>>) target(%arg18 : memref<6256xf32, #tpu.memory_space<vmem>>) target_semaphore(%run_scoped3A : memref<!tpu.dma_semaphore, #tpu.memory_space<semaphore_mem>>)
      tpu.wait_dma2 semaphore(%run_scoped3A : memref<!tpu.dma_semaphore, #tpu.memory_space<semaphore_mem>>) src(%arg5 : memref<6256xf32, #tpu.memory_space<hbm>>) dst(%arg18 : memref<6256xf32, #tpu.memory_space<vmem>>)
      tpu.yield
    }) : () -> ()
    "tpu.region"() ({
      %run_scoped3A = tpu.sem_alloc : memref<!tpu.dma_semaphore, #tpu.memory_space<semaphore_mem>>
      %dma_start3A_43 = tpu.memref_slice %arg10[%mul3A_0] : memref<100096xf32, #tpu.memory_space<vmem_shared>> -> memref<6256xf32, #tpu.memory_space<vmem_shared>>
      %dma_start3A_44 = tpu.memref_slice %arg10[%mul3A_0] : memref<100096xf32, #tpu.memory_space<vmem_shared>> -> memref<6256xf32, #tpu.memory_space<vmem_shared>>
      tpu.enqueue_dma source(%arg18 : memref<6256xf32, #tpu.memory_space<vmem>>) target(%dma_start3A_44 : memref<6256xf32, #tpu.memory_space<vmem_shared>>) target_semaphore(%run_scoped3A : memref<!tpu.dma_semaphore, #tpu.memory_space<semaphore_mem>>)
      %dma_wait3A_45 = tpu.memref_slice %arg10[%mul3A_0] : memref<100096xf32, #tpu.memory_space<vmem_shared>> -> memref<6256xf32, #tpu.memory_space<vmem_shared>>
      %dma_wait3A_46 = tpu.memref_slice %arg10[%mul3A_0] : memref<100096xf32, #tpu.memory_space<vmem_shared>> -> memref<6256xf32, #tpu.memory_space<vmem_shared>>
      tpu.wait_dma2 semaphore(%run_scoped3A : memref<!tpu.dma_semaphore, #tpu.memory_space<semaphore_mem>>) src(%arg18 : memref<6256xf32, #tpu.memory_space<vmem>>) dst(%dma_wait3A_46 : memref<6256xf32, #tpu.memory_space<vmem_shared>>)
      tpu.yield
    }) : () -> ()
    "tpu.region"() ({
      %run_scoped3A = tpu.sem_alloc : memref<!tpu.dma_semaphore, #tpu.memory_space<semaphore_mem>>
      %dma_start3A_43 = tpu.memref_slice %arg4[%mul3A_0] : memref<100096xf32, #tpu.memory_space<hbm>> -> memref<6256xf32, #tpu.memory_space<hbm>>
      %dma_start3A_44 = tpu.memref_slice %arg4[%mul3A_0] : memref<100096xf32, #tpu.memory_space<hbm>> -> memref<6256xf32, #tpu.memory_space<hbm>>
      tpu.enqueue_dma source(%dma_start3A_44 : memref<6256xf32, #tpu.memory_space<hbm>>) target(%arg18 : memref<6256xf32, #tpu.memory_space<vmem>>) target_semaphore(%run_scoped3A : memref<!tpu.dma_semaphore, #tpu.memory_space<semaphore_mem>>)
      %dma_wait3A_45 = tpu.memref_slice %arg4[%mul3A_0] : memref<100096xf32, #tpu.memory_space<hbm>> -> memref<6256xf32, #tpu.memory_space<hbm>>
      %dma_wait3A_46 = tpu.memref_slice %arg4[%mul3A_0] : memref<100096xf32, #tpu.memory_space<hbm>> -> memref<6256xf32, #tpu.memory_space<hbm>>
      tpu.wait_dma2 semaphore(%run_scoped3A : memref<!tpu.dma_semaphore, #tpu.memory_space<semaphore_mem>>) src(%dma_wait3A_46 : memref<6256xf32, #tpu.memory_space<hbm>>) dst(%arg18 : memref<6256xf32, #tpu.memory_space<vmem>>)
      tpu.yield
    }) : () -> ()
    "tpu.region"() ({
      %run_scoped3A = tpu.sem_alloc : memref<!tpu.dma_semaphore, #tpu.memory_space<semaphore_mem>>
      %dma_start3A_43 = tpu.memref_slice %arg9[%mul3A_0] : memref<100096xf32, #tpu.memory_space<vmem_shared>> -> memref<6256xf32, #tpu.memory_space<vmem_shared>>
      %dma_start3A_44 = tpu.memref_slice %arg9[%mul3A_0] : memref<100096xf32, #tpu.memory_space<vmem_shared>> -> memref<6256xf32, #tpu.memory_space<vmem_shared>>
      tpu.enqueue_dma source(%arg18 : memref<6256xf32, #tpu.memory_space<vmem>>) target(%dma_start3A_44 : memref<6256xf32, #tpu.memory_space<vmem_shared>>) target_semaphore(%run_scoped3A : memref<!tpu.dma_semaphore, #tpu.memory_space<semaphore_mem>>)
      %dma_wait3A_45 = tpu.memref_slice %arg9[%mul3A_0] : memref<100096xf32, #tpu.memory_space<vmem_shared>> -> memref<6256xf32, #tpu.memory_space<vmem_shared>>
      %dma_wait3A_46 = tpu.memref_slice %arg9[%mul3A_0] : memref<100096xf32, #tpu.memory_space<vmem_shared>> -> memref<6256xf32, #tpu.memory_space<vmem_shared>>
      tpu.wait_dma2 semaphore(%run_scoped3A : memref<!tpu.dma_semaphore, #tpu.memory_space<semaphore_mem>>) src(%arg18 : memref<6256xf32, #tpu.memory_space<vmem>>) dst(%dma_wait3A_46 : memref<6256xf32, #tpu.memory_space<vmem_shared>>)
      tpu.yield
    }) : () -> ()
    %barrier3A = arith.constant 0 : index
    tpu.barrier barrier_id(%barrier3A)
    %mul3A_1 = arith.constant 16 : i32
    %mul3A_2 = arith.muli %arg0, %mul3A_1 : i32
    %add3A = arith.addi %mul3A_2, %arg1 : i32
    %mul3A_3 = arith.constant 784 : i32
    %mul3A_4 = arith.muli %add3A, %mul3A_3 : i32
    %min3A = arith.constant 0 : i32
    %min3A_5 = arith.constant 13 : i32
    %min3A_6 = arith.minsi %min3A, %min3A_5 : i32
    %mul3A_7 = arith.constant 56 : i32
    %mul3A_8 = arith.muli %min3A_6, %mul3A_7 : i32
    %add3A_9 = arith.addi %mul3A_4, %mul3A_8 : i32
    %dma_start3A = arith.constant 0 : i32
    %dma_start3A_10 = tpu.memref_slice %arg2[%add3A_9, %dma_start3A] : memref<25088x128xi32, #tpu.memory_space<hbm>> -> memref<56x128xi32, #tpu.memory_space<hbm>>
    %dma_start3A_11 = arith.constant 0 : i32
    %dma_start3A_12 = tpu.memref_slice %arg2[%add3A_9, %dma_start3A_11] : memref<25088x128xi32, #tpu.memory_space<hbm>> -> memref<56x128xi32, #tpu.memory_space<hbm>>
    tpu.enqueue_dma source(%dma_start3A_12 : memref<56x128xi32, #tpu.memory_space<hbm>>) target(%arg11 : memref<56x128xi32, #tpu.memory_space<vmem>>) target_semaphore(%arg19 : memref<!tpu.dma_semaphore, #tpu.memory_space<semaphore_mem>>)
    %dma_start3A_13 = arith.constant 0 : i32
    %dma_start3A_14 = tpu.memref_slice %arg3[%add3A_9, %dma_start3A_13] : memref<25088x128xi32, #tpu.memory_space<hbm>> -> memref<56x128xi32, #tpu.memory_space<hbm>>
    %dma_start3A_15 = arith.constant 0 : i32
    %dma_start3A_16 = tpu.memref_slice %arg3[%add3A_9, %dma_start3A_15] : memref<25088x128xi32, #tpu.memory_space<hbm>> -> memref<56x128xi32, #tpu.memory_space<hbm>>
    tpu.enqueue_dma source(%dma_start3A_16 : memref<56x128xi32, #tpu.memory_space<hbm>>) target(%arg12 : memref<56x128xi32, #tpu.memory_space<vmem>>) target_semaphore(%arg19 : memref<!tpu.dma_semaphore, #tpu.memory_space<semaphore_mem>>)
    %dma_wait3A = arith.constant 0 : i32
    %dma_wait3A_17 = arith.constant 0 : i32
    %dma_wait3A_18 = tpu.memref_slice %arg2[%dma_wait3A, %dma_wait3A_17] : memref<25088x128xi32, #tpu.memory_space<hbm>> -> memref<56x128xi32, #tpu.memory_space<hbm>>
    %dma_wait3A_19 = arith.constant 0 : i32
    %dma_wait3A_20 = arith.constant 0 : i32
    %dma_wait3A_21 = tpu.memref_slice %arg2[%dma_wait3A_19, %dma_wait3A_20] : memref<25088x128xi32, #tpu.memory_space<hbm>> -> memref<56x128xi32, #tpu.memory_space<hbm>>
    tpu.wait_dma2 semaphore(%arg19 : memref<!tpu.dma_semaphore, #tpu.memory_space<semaphore_mem>>) src(%dma_wait3A_21 : memref<56x128xi32, #tpu.memory_space<hbm>>) dst(%arg11 : memref<56x128xi32, #tpu.memory_space<vmem>>)
    %dma_wait3A_22 = arith.constant 0 : i32
    %dma_wait3A_23 = arith.constant 0 : i32
    %dma_wait3A_24 = tpu.memref_slice %arg2[%dma_wait3A_22, %dma_wait3A_23] : memref<25088x128xi32, #tpu.memory_space<hbm>> -> memref<56x128xi32, #tpu.memory_space<hbm>>
    %dma_wait3A_25 = arith.constant 0 : i32
    %dma_wait3A_26 = arith.constant 0 : i32
    %dma_wait3A_27 = tpu.memref_slice %arg2[%dma_wait3A_25, %dma_wait3A_26] : memref<25088x128xi32, #tpu.memory_space<hbm>> -> memref<56x128xi32, #tpu.memory_space<hbm>>
    tpu.wait_dma2 semaphore(%arg19 : memref<!tpu.dma_semaphore, #tpu.memory_space<semaphore_mem>>) src(%dma_wait3A_27 : memref<56x128xi32, #tpu.memory_space<hbm>>) dst(%arg12 : memref<56x128xi32, #tpu.memory_space<vmem>>)
    %scan3A = arith.constant 0 : i32
    %scan3A_28 = arith.constant 0 : i32
    %scan3A_29 = arith.constant 56 : i32
    %scan3A_30 = arith.addi %scan3A_28, %scan3A_29 : i32
    %scan3A_31 = arith.constant 1 : i32
    scf.for %scan3A_43 = %scan3A_28 to %scan3A_30 step %scan3A_31  : i32 {
      %dma_start3A_44 = arith.constant 0 : i32
      %dma_start3A_45 = tpu.memref_slice %arg13[%scan3A_43, %dma_start3A_44] : memref<56x128xf32, #tpu.memory_space<vmem>> -> memref<1x128xf32, #tpu.memory_space<vmem>>
      %dma_start3A_46 = tpu.memref_squeeze %dma_start3A_45 : memref<1x128xf32, #tpu.memory_space<vmem>> -> memref<128xf32, #tpu.memory_space<vmem>>
      %dma_start3A_47 = arith.constant 0 : i32
      %dma_start3A_48 = tpu.memref_slice %arg11[%scan3A_43, %dma_start3A_47] : memref<56x128xi32, #tpu.memory_space<vmem>> -> memref<1x128xi32, #tpu.memory_space<vmem>>
      %dma_start3A_49 = tpu.memref_squeeze %dma_start3A_48 : memref<1x128xi32, #tpu.memory_space<vmem>> -> memref<128xi32, #tpu.memory_space<vmem>>
      %dma_start3A_50 = arith.constant 0 : i32
      %dma_start3A_51 = tpu.memref_slice %arg9[%dma_start3A_50] : memref<100096xf32, #tpu.memory_space<vmem_shared>> -> memref<100096xf32, #tpu.memory_space<vmem_shared>>
      tpu.enqueue_indirect_dma source(%dma_start3A_51 : memref<100096xf32, #tpu.memory_space<vmem_shared>>) target(%dma_start3A_46 : memref<128xf32, #tpu.memory_space<vmem>>) offsets(%dma_start3A_49 : memref<128xi32, #tpu.memory_space<vmem>>) semaphore(%arg20 : memref<!tpu.dma_semaphore, #tpu.memory_space<semaphore_mem>>)
    }
    %scan3A_32 = arith.constant 56 : i32
    %scan3A_33 = arith.constant 0 : i32
    %scan3A_34 = arith.constant 0 : i32
    %scan3A_35 = arith.constant 7 : i32
    %scan3A_36 = arith.addi %scan3A_34, %scan3A_35 : i32
    %scan3A_37 = arith.constant 1 : i32
    scf.for %scan3A_43 = %scan3A_34 to %scan3A_36 step %scan3A_37  : i32 {
      %mul3A_44 = arith.constant 2 : i32
      %mul3A_45 = arith.muli %scan3A_43, %mul3A_44 : i32
      %gt3A = arith.constant 0 : i32
      %gt3A_46 = arith.cmpi sgt, %scan3A_43, %gt3A : i32
      %convert_element_type3A = arith.extui %gt3A_46 : i1 to i32
      %cond3A = arith.constant 0 : i32
      %cond3A_47 = arith.cmpi ne, %convert_element_type3A, %cond3A : i32
      scf.if %cond3A_47 {
        tpu.wait_dma2 semaphore(%arg21 : memref<!tpu.dma_semaphore, #tpu.memory_space<semaphore_mem>>) src(%arg6 : memref<56x128xf32, #tpu.memory_space<hbm>>) dst(%arg13 : memref<56x128xf32, #tpu.memory_space<vmem>>)
      } else {
      }
      %add3A_48 = arith.constant 1 : i32
      %add3A_49 = arith.addi %mul3A_45, %add3A_48 : i32
      %min3A_50 = arith.constant 13 : i32
      %min3A_51 = arith.minsi %add3A_49, %min3A_50 : i32
      %mul3A_52 = arith.constant 56 : i32
      %mul3A_53 = arith.muli %min3A_51, %mul3A_52 : i32
      %add3A_54 = arith.addi %mul3A_4, %mul3A_53 : i32
      %dma_start3A_55 = arith.constant 0 : i32
      %dma_start3A_56 = tpu.memref_slice %arg2[%add3A_54, %dma_start3A_55] : memref<25088x128xi32, #tpu.memory_space<hbm>> -> memref<56x128xi32, #tpu.memory_space<hbm>>
      %dma_start3A_57 = arith.constant 0 : i32
      %dma_start3A_58 = tpu.memref_slice %arg2[%add3A_54, %dma_start3A_57] : memref<25088x128xi32, #tpu.memory_space<hbm>> -> memref<56x128xi32, #tpu.memory_space<hbm>>
      tpu.enqueue_dma source(%dma_start3A_58 : memref<56x128xi32, #tpu.memory_space<hbm>>) target(%arg14 : memref<56x128xi32, #tpu.memory_space<vmem>>) target_semaphore(%arg19 : memref<!tpu.dma_semaphore, #tpu.memory_space<semaphore_mem>>)
      %dma_start3A_59 = arith.constant 0 : i32
      %dma_start3A_60 = tpu.memref_slice %arg3[%add3A_54, %dma_start3A_59] : memref<25088x128xi32, #tpu.memory_space<hbm>> -> memref<56x128xi32, #tpu.memory_space<hbm>>
      %dma_start3A_61 = arith.constant 0 : i32
      %dma_start3A_62 = tpu.memref_slice %arg3[%add3A_54, %dma_start3A_61] : memref<25088x128xi32, #tpu.memory_space<hbm>> -> memref<56x128xi32, #tpu.memory_space<hbm>>
      tpu.enqueue_dma source(%dma_start3A_62 : memref<56x128xi32, #tpu.memory_space<hbm>>) target(%arg15 : memref<56x128xi32, #tpu.memory_space<vmem>>) target_semaphore(%arg19 : memref<!tpu.dma_semaphore, #tpu.memory_space<semaphore_mem>>)
      tpu.wait_dma2 semaphore(%arg20 : memref<!tpu.dma_semaphore, #tpu.memory_space<semaphore_mem>>) src(%arg6 : memref<56x128xf32, #tpu.memory_space<hbm>>) dst(%arg13 : memref<56x128xf32, #tpu.memory_space<vmem>>)
      %scan3A_63 = arith.constant 0 : i32
      %scan3A_64 = arith.constant 0 : i32
      %scan3A_65 = arith.constant 56 : i32
      %scan3A_66 = arith.addi %scan3A_64, %scan3A_65 : i32
      %scan3A_67 = arith.constant 1 : i32
      scf.for %scan3A_128 = %scan3A_64 to %scan3A_66 step %scan3A_67  : i32 {
        %dma_start3A_129 = arith.constant 0 : i32
        %dma_start3A_130 = tpu.memref_slice %arg13[%scan3A_128, %dma_start3A_129] : memref<56x128xf32, #tpu.memory_space<vmem>> -> memref<1x128xf32, #tpu.memory_space<vmem>>
        %dma_start3A_131 = tpu.memref_squeeze %dma_start3A_130 : memref<1x128xf32, #tpu.memory_space<vmem>> -> memref<128xf32, #tpu.memory_space<vmem>>
        %dma_start3A_132 = arith.constant 0 : i32
        %dma_start3A_133 = tpu.memref_slice %arg12[%scan3A_128, %dma_start3A_132] : memref<56x128xi32, #tpu.memory_space<vmem>> -> memref<1x128xi32, #tpu.memory_space<vmem>>
        %dma_start3A_134 = tpu.memref_squeeze %dma_start3A_133 : memref<1x128xi32, #tpu.memory_space<vmem>> -> memref<128xi32, #tpu.memory_space<vmem>>
        %dma_start3A_135 = arith.constant 0 : i32
        %dma_start3A_136 = tpu.memref_slice %arg10[%dma_start3A_135] : memref<100096xf32, #tpu.memory_space<vmem_shared>> -> memref<100096xf32, #tpu.memory_space<vmem_shared>>
        tpu.enqueue_indirect_dma source(%dma_start3A_131 : memref<128xf32, #tpu.memory_space<vmem>>) target(%dma_start3A_136 : memref<100096xf32, #tpu.memory_space<vmem_shared>>) offsets(%dma_start3A_134 : memref<128xi32, #tpu.memory_space<vmem>>) semaphore(%arg21 : memref<!tpu.dma_semaphore, #tpu.memory_space<semaphore_mem>>) {add = true}
      }
      %scan3A_68 = arith.constant 56 : i32
      %dma_wait3A_69 = arith.constant 0 : i32
      %dma_wait3A_70 = arith.constant 0 : i32
      %dma_wait3A_71 = tpu.memref_slice %arg2[%dma_wait3A_69, %dma_wait3A_70] : memref<25088x128xi32, #tpu.memory_space<hbm>> -> memref<56x128xi32, #tpu.memory_space<hbm>>
      %dma_wait3A_72 = arith.constant 0 : i32
      %dma_wait3A_73 = arith.constant 0 : i32
      %dma_wait3A_74 = tpu.memref_slice %arg2[%dma_wait3A_72, %dma_wait3A_73] : memref<25088x128xi32, #tpu.memory_space<hbm>> -> memref<56x128xi32, #tpu.memory_space<hbm>>
      tpu.wait_dma2 semaphore(%arg19 : memref<!tpu.dma_semaphore, #tpu.memory_space<semaphore_mem>>) src(%dma_wait3A_74 : memref<56x128xi32, #tpu.memory_space<hbm>>) dst(%arg14 : memref<56x128xi32, #tpu.memory_space<vmem>>)
      %dma_wait3A_75 = arith.constant 0 : i32
      %dma_wait3A_76 = arith.constant 0 : i32
      %dma_wait3A_77 = tpu.memref_slice %arg2[%dma_wait3A_75, %dma_wait3A_76] : memref<25088x128xi32, #tpu.memory_space<hbm>> -> memref<56x128xi32, #tpu.memory_space<hbm>>
      %dma_wait3A_78 = arith.constant 0 : i32
      %dma_wait3A_79 = arith.constant 0 : i32
      %dma_wait3A_80 = tpu.memref_slice %arg2[%dma_wait3A_78, %dma_wait3A_79] : memref<25088x128xi32, #tpu.memory_space<hbm>> -> memref<56x128xi32, #tpu.memory_space<hbm>>
      tpu.wait_dma2 semaphore(%arg19 : memref<!tpu.dma_semaphore, #tpu.memory_space<semaphore_mem>>) src(%dma_wait3A_80 : memref<56x128xi32, #tpu.memory_space<hbm>>) dst(%arg15 : memref<56x128xi32, #tpu.memory_space<vmem>>)
      %scan3A_81 = arith.constant 0 : i32
      %scan3A_82 = arith.constant 0 : i32
      %scan3A_83 = arith.constant 56 : i32
      %scan3A_84 = arith.addi %scan3A_82, %scan3A_83 : i32
      %scan3A_85 = arith.constant 1 : i32
      scf.for %scan3A_128 = %scan3A_82 to %scan3A_84 step %scan3A_85  : i32 {
        %dma_start3A_129 = arith.constant 0 : i32
        %dma_start3A_130 = tpu.memref_slice %arg16[%scan3A_128, %dma_start3A_129] : memref<56x128xf32, #tpu.memory_space<vmem>> -> memref<1x128xf32, #tpu.memory_space<vmem>>
        %dma_start3A_131 = tpu.memref_squeeze %dma_start3A_130 : memref<1x128xf32, #tpu.memory_space<vmem>> -> memref<128xf32, #tpu.memory_space<vmem>>
        %dma_start3A_132 = arith.constant 0 : i32
        %dma_start3A_133 = tpu.memref_slice %arg14[%scan3A_128, %dma_start3A_132] : memref<56x128xi32, #tpu.memory_space<vmem>> -> memref<1x128xi32, #tpu.memory_space<vmem>>
        %dma_start3A_134 = tpu.memref_squeeze %dma_start3A_133 : memref<1x128xi32, #tpu.memory_space<vmem>> -> memref<128xi32, #tpu.memory_space<vmem>>
        %dma_start3A_135 = arith.constant 0 : i32
        %dma_start3A_136 = tpu.memref_slice %arg9[%dma_start3A_135] : memref<100096xf32, #tpu.memory_space<vmem_shared>> -> memref<100096xf32, #tpu.memory_space<vmem_shared>>
        tpu.enqueue_indirect_dma source(%dma_start3A_136 : memref<100096xf32, #tpu.memory_space<vmem_shared>>) target(%dma_start3A_131 : memref<128xf32, #tpu.memory_space<vmem>>) offsets(%dma_start3A_134 : memref<128xi32, #tpu.memory_space<vmem>>) semaphore(%arg20 : memref<!tpu.dma_semaphore, #tpu.memory_space<semaphore_mem>>)
      }
      %scan3A_86 = arith.constant 56 : i32
      %add3A_87 = arith.constant 1 : i32
      %add3A_88 = arith.addi %mul3A_45, %add3A_87 : i32
      tpu.wait_dma2 semaphore(%arg21 : memref<!tpu.dma_semaphore, #tpu.memory_space<semaphore_mem>>) src(%arg6 : memref<56x128xf32, #tpu.memory_space<hbm>>) dst(%arg13 : memref<56x128xf32, #tpu.memory_space<vmem>>)
      %add3A_89 = arith.constant 1 : i32
      %add3A_90 = arith.addi %add3A_88, %add3A_89 : i32
      %min3A_91 = arith.constant 13 : i32
      %min3A_92 = arith.minsi %add3A_90, %min3A_91 : i32
      %mul3A_93 = arith.constant 56 : i32
      %mul3A_94 = arith.muli %min3A_92, %mul3A_93 : i32
      %add3A_95 = arith.addi %mul3A_4, %mul3A_94 : i32
      %dma_start3A_96 = arith.constant 0 : i32
      %dma_start3A_97 = tpu.memref_slice %arg2[%add3A_95, %dma_start3A_96] : memref<25088x128xi32, #tpu.memory_space<hbm>> -> memref<56x128xi32, #tpu.memory_space<hbm>>
      %dma_start3A_98 = arith.constant 0 : i32
      %dma_start3A_99 = tpu.memref_slice %arg2[%add3A_95, %dma_start3A_98] : memref<25088x128xi32, #tpu.memory_space<hbm>> -> memref<56x128xi32, #tpu.memory_space<hbm>>
      tpu.enqueue_dma source(%dma_start3A_99 : memref<56x128xi32, #tpu.memory_space<hbm>>) target(%arg11 : memref<56x128xi32, #tpu.memory_space<vmem>>) target_semaphore(%arg19 : memref<!tpu.dma_semaphore, #tpu.memory_space<semaphore_mem>>)
      %dma_start3A_100 = arith.constant 0 : i32
      %dma_start3A_101 = tpu.memref_slice %arg3[%add3A_95, %dma_start3A_100] : memref<25088x128xi32, #tpu.memory_space<hbm>> -> memref<56x128xi32, #tpu.memory_space<hbm>>
      %dma_start3A_102 = arith.constant 0 : i32
      %dma_start3A_103 = tpu.memref_slice %arg3[%add3A_95, %dma_start3A_102] : memref<25088x128xi32, #tpu.memory_space<hbm>> -> memref<56x128xi32, #tpu.memory_space<hbm>>
      tpu.enqueue_dma source(%dma_start3A_103 : memref<56x128xi32, #tpu.memory_space<hbm>>) target(%arg12 : memref<56x128xi32, #tpu.memory_space<vmem>>) target_semaphore(%arg19 : memref<!tpu.dma_semaphore, #tpu.memory_space<semaphore_mem>>)
      tpu.wait_dma2 semaphore(%arg20 : memref<!tpu.dma_semaphore, #tpu.memory_space<semaphore_mem>>) src(%arg6 : memref<56x128xf32, #tpu.memory_space<hbm>>) dst(%arg13 : memref<56x128xf32, #tpu.memory_space<vmem>>)
      %scan3A_104 = arith.constant 0 : i32
      %scan3A_105 = arith.constant 0 : i32
      %scan3A_106 = arith.constant 56 : i32
      %scan3A_107 = arith.addi %scan3A_105, %scan3A_106 : i32
      %scan3A_108 = arith.constant 1 : i32
      scf.for %scan3A_128 = %scan3A_105 to %scan3A_107 step %scan3A_108  : i32 {
        %dma_start3A_129 = arith.constant 0 : i32
        %dma_start3A_130 = tpu.memref_slice %arg16[%scan3A_128, %dma_start3A_129] : memref<56x128xf32, #tpu.memory_space<vmem>> -> memref<1x128xf32, #tpu.memory_space<vmem>>
        %dma_start3A_131 = tpu.memref_squeeze %dma_start3A_130 : memref<1x128xf32, #tpu.memory_space<vmem>> -> memref<128xf32, #tpu.memory_space<vmem>>
        %dma_start3A_132 = arith.constant 0 : i32
        %dma_start3A_133 = tpu.memref_slice %arg15[%scan3A_128, %dma_start3A_132] : memref<56x128xi32, #tpu.memory_space<vmem>> -> memref<1x128xi32, #tpu.memory_space<vmem>>
        %dma_start3A_134 = tpu.memref_squeeze %dma_start3A_133 : memref<1x128xi32, #tpu.memory_space<vmem>> -> memref<128xi32, #tpu.memory_space<vmem>>
        %dma_start3A_135 = arith.constant 0 : i32
        %dma_start3A_136 = tpu.memref_slice %arg10[%dma_start3A_135] : memref<100096xf32, #tpu.memory_space<vmem_shared>> -> memref<100096xf32, #tpu.memory_space<vmem_shared>>
        tpu.enqueue_indirect_dma source(%dma_start3A_131 : memref<128xf32, #tpu.memory_space<vmem>>) target(%dma_start3A_136 : memref<100096xf32, #tpu.memory_space<vmem_shared>>) offsets(%dma_start3A_134 : memref<128xi32, #tpu.memory_space<vmem>>) semaphore(%arg21 : memref<!tpu.dma_semaphore, #tpu.memory_space<semaphore_mem>>) {add = true}
      }
      %scan3A_109 = arith.constant 56 : i32
      %dma_wait3A_110 = arith.constant 0 : i32
      %dma_wait3A_111 = arith.constant 0 : i32
      %dma_wait3A_112 = tpu.memref_slice %arg2[%dma_wait3A_110, %dma_wait3A_111] : memref<25088x128xi32, #tpu.memory_space<hbm>> -> memref<56x128xi32, #tpu.memory_space<hbm>>
      %dma_wait3A_113 = arith.constant 0 : i32
      %dma_wait3A_114 = arith.constant 0 : i32
      %dma_wait3A_115 = tpu.memref_slice %arg2[%dma_wait3A_113, %dma_wait3A_114] : memref<25088x128xi32, #tpu.memory_space<hbm>> -> memref<56x128xi32, #tpu.memory_space<hbm>>
      tpu.wait_dma2 semaphore(%arg19 : memref<!tpu.dma_semaphore, #tpu.memory_space<semaphore_mem>>) src(%dma_wait3A_115 : memref<56x128xi32, #tpu.memory_space<hbm>>) dst(%arg11 : memref<56x128xi32, #tpu.memory_space<vmem>>)
      %dma_wait3A_116 = arith.constant 0 : i32
      %dma_wait3A_117 = arith.constant 0 : i32
      %dma_wait3A_118 = tpu.memref_slice %arg2[%dma_wait3A_116, %dma_wait3A_117] : memref<25088x128xi32, #tpu.memory_space<hbm>> -> memref<56x128xi32, #tpu.memory_space<hbm>>
      %dma_wait3A_119 = arith.constant 0 : i32
      %dma_wait3A_120 = arith.constant 0 : i32
      %dma_wait3A_121 = tpu.memref_slice %arg2[%dma_wait3A_119, %dma_wait3A_120] : memref<25088x128xi32, #tpu.memory_space<hbm>> -> memref<56x128xi32, #tpu.memory_space<hbm>>
      tpu.wait_dma2 semaphore(%arg19 : memref<!tpu.dma_semaphore, #tpu.memory_space<semaphore_mem>>) src(%dma_wait3A_121 : memref<56x128xi32, #tpu.memory_space<hbm>>) dst(%arg12 : memref<56x128xi32, #tpu.memory_space<vmem>>)
      %scan3A_122 = arith.constant 0 : i32
      %scan3A_123 = arith.constant 0 : i32
      %scan3A_124 = arith.constant 56 : i32
      %scan3A_125 = arith.addi %scan3A_123, %scan3A_124 : i32
      %scan3A_126 = arith.constant 1 : i32
      scf.for %scan3A_128 = %scan3A_123 to %scan3A_125 step %scan3A_126  : i32 {
        %dma_start3A_129 = arith.constant 0 : i32
        %dma_start3A_130 = tpu.memref_slice %arg13[%scan3A_128, %dma_start3A_129] : memref<56x128xf32, #tpu.memory_space<vmem>> -> memref<1x128xf32, #tpu.memory_space<vmem>>
        %dma_start3A_131 = tpu.memref_squeeze %dma_start3A_130 : memref<1x128xf32, #tpu.memory_space<vmem>> -> memref<128xf32, #tpu.memory_space<vmem>>
        %dma_start3A_132 = arith.constant 0 : i32
        %dma_start3A_133 = tpu.memref_slice %arg11[%scan3A_128, %dma_start3A_132] : memref<56x128xi32, #tpu.memory_space<vmem>> -> memref<1x128xi32, #tpu.memory_space<vmem>>
        %dma_start3A_134 = tpu.memref_squeeze %dma_start3A_133 : memref<1x128xi32, #tpu.memory_space<vmem>> -> memref<128xi32, #tpu.memory_space<vmem>>
        %dma_start3A_135 = arith.constant 0 : i32
        %dma_start3A_136 = tpu.memref_slice %arg9[%dma_start3A_135] : memref<100096xf32, #tpu.memory_space<vmem_shared>> -> memref<100096xf32, #tpu.memory_space<vmem_shared>>
        tpu.enqueue_indirect_dma source(%dma_start3A_136 : memref<100096xf32, #tpu.memory_space<vmem_shared>>) target(%dma_start3A_131 : memref<128xf32, #tpu.memory_space<vmem>>) offsets(%dma_start3A_134 : memref<128xi32, #tpu.memory_space<vmem>>) semaphore(%arg20 : memref<!tpu.dma_semaphore, #tpu.memory_space<semaphore_mem>>)
      }
      %scan3A_127 = arith.constant 56 : i32
    }
    %scan3A_38 = arith.constant 7 : i32
    tpu.wait_dma2 semaphore(%arg21 : memref<!tpu.dma_semaphore, #tpu.memory_space<semaphore_mem>>) src(%arg6 : memref<56x128xf32, #tpu.memory_space<hbm>>) dst(%arg13 : memref<56x128xf32, #tpu.memory_space<vmem>>)
    tpu.wait_dma2 semaphore(%arg20 : memref<!tpu.dma_semaphore, #tpu.memory_space<semaphore_mem>>) src(%arg6 : memref<56x128xf32, #tpu.memory_space<hbm>>) dst(%arg13 : memref<56x128xf32, #tpu.memory_space<vmem>>)
    %barrier3A_39 = arith.constant 0 : index
    tpu.barrier barrier_id(%barrier3A_39)
    %mul3A_40 = arith.constant 100096 : i32
    %mul3A_41 = arith.muli %arg0, %mul3A_40 : i32
    %add3A_42 = arith.addi %mul3A_41, %mul3A_0 : i32
    "tpu.region"() ({
      %run_scoped3A = tpu.sem_alloc : memref<!tpu.dma_semaphore, #tpu.memory_space<semaphore_mem>>
      %dma_start3A_43 = tpu.memref_slice %arg10[%mul3A_0] : memref<100096xf32, #tpu.memory_space<vmem_shared>> -> memref<6256xf32, #tpu.memory_space<vmem_shared>>
      %dma_start3A_44 = tpu.memref_slice %arg10[%mul3A_0] : memref<100096xf32, #tpu.memory_space<vmem_shared>> -> memref<6256xf32, #tpu.memory_space<vmem_shared>>
      tpu.enqueue_dma source(%dma_start3A_44 : memref<6256xf32, #tpu.memory_space<vmem_shared>>) target(%arg18 : memref<6256xf32, #tpu.memory_space<vmem>>) target_semaphore(%run_scoped3A : memref<!tpu.dma_semaphore, #tpu.memory_space<semaphore_mem>>)
      %dma_wait3A_45 = tpu.memref_slice %arg10[%mul3A_0] : memref<100096xf32, #tpu.memory_space<vmem_shared>> -> memref<6256xf32, #tpu.memory_space<vmem_shared>>
      %dma_wait3A_46 = tpu.memref_slice %arg10[%mul3A_0] : memref<100096xf32, #tpu.memory_space<vmem_shared>> -> memref<6256xf32, #tpu.memory_space<vmem_shared>>
      tpu.wait_dma2 semaphore(%run_scoped3A : memref<!tpu.dma_semaphore, #tpu.memory_space<semaphore_mem>>) src(%dma_wait3A_46 : memref<6256xf32, #tpu.memory_space<vmem_shared>>) dst(%arg18 : memref<6256xf32, #tpu.memory_space<vmem>>)
      tpu.yield
    }) : () -> ()
    "tpu.region"() ({
      %run_scoped3A = tpu.sem_alloc : memref<!tpu.dma_semaphore, #tpu.memory_space<semaphore_mem>>
      %dma_start3A_43 = tpu.memref_slice %arg8[%add3A_42] : memref<200192xf32, #tpu.memory_space<hbm>> -> memref<6256xf32, #tpu.memory_space<hbm>>
      %dma_start3A_44 = tpu.memref_slice %arg8[%add3A_42] : memref<200192xf32, #tpu.memory_space<hbm>> -> memref<6256xf32, #tpu.memory_space<hbm>>
      tpu.enqueue_dma source(%arg18 : memref<6256xf32, #tpu.memory_space<vmem>>) target(%dma_start3A_44 : memref<6256xf32, #tpu.memory_space<hbm>>) target_semaphore(%run_scoped3A : memref<!tpu.dma_semaphore, #tpu.memory_space<semaphore_mem>>)
      %dma_wait3A_45 = tpu.memref_slice %arg8[%add3A_42] : memref<200192xf32, #tpu.memory_space<hbm>> -> memref<6256xf32, #tpu.memory_space<hbm>>
      %dma_wait3A_46 = tpu.memref_slice %arg8[%add3A_42] : memref<200192xf32, #tpu.memory_space<hbm>> -> memref<6256xf32, #tpu.memory_space<hbm>>
      tpu.wait_dma2 semaphore(%run_scoped3A : memref<!tpu.dma_semaphore, #tpu.memory_space<semaphore_mem>>) src(%arg18 : memref<6256xf32, #tpu.memory_space<vmem>>) dst(%dma_wait3A_46 : memref<6256xf32, #tpu.memory_space<hbm>>)
      tpu.yield
    }) : () -> ()
    return
  }
}

#map = affine_map<(d0, d1) -> (0, 0)>
#map1 = affine_map<(d0, d1) -> (0)>
module attributes {stable_mosaic.version = 14 : i64} {
  func.func @sage_sc_pass1(%arg0: i32, %arg1: i32, %arg2: memref<25088x128xi32, #tpu.memory_space<hbm>>, %arg3: memref<25088x128xi32, #tpu.memory_space<hbm>>, %arg4: memref<100096xf32, #tpu.memory_space<hbm>>, %arg5: memref<6256xf32, #tpu.memory_space<hbm>>, %arg6: memref<56x128xf32, #tpu.memory_space<hbm>>, %arg7: memref<128xf32, #tpu.memory_space<hbm>>, %arg8: memref<200192xf32, #tpu.memory_space<hbm>>, %arg9: memref<200192xf32, #tpu.memory_space<hbm>>, %arg10: memref<100096xf32, #tpu.memory_space<vmem_shared>>, %arg11: memref<100096xf32, #tpu.memory_space<vmem_shared>>, %arg12: memref<100096xf32, #tpu.memory_space<vmem_shared>>, %arg13: memref<56x128xi32, #tpu.memory_space<vmem>>, %arg14: memref<56x128xi32, #tpu.memory_space<vmem>>, %arg15: memref<56x128xf32, #tpu.memory_space<vmem>>, %arg16: memref<56x128xi32, #tpu.memory_space<vmem>>, %arg17: memref<56x128xi32, #tpu.memory_space<vmem>>, %arg18: memref<56x128xf32, #tpu.memory_space<vmem>>, %arg19: memref<128xf32, #tpu.memory_space<vmem>>, %arg20: memref<6256xf32, #tpu.memory_space<vmem>>, %arg21: memref<!tpu.dma_semaphore, #tpu.memory_space<semaphore_mem>>, %arg22: memref<!tpu.dma_semaphore, #tpu.memory_space<semaphore_mem>>, %arg23: memref<!tpu.dma_semaphore, #tpu.memory_space<semaphore_mem>>) attributes {dimension_semantics = [#tpu.dimension_semantics<core_parallel>, #tpu.dimension_semantics<subcore_parallel>], iteration_bounds = array<i64: 2, 16>, scalar_prefetch = 0 : i64, scratch_operands = 14 : i64, tpu.core_type = #tpu.core_type<sc_vector_subcore>, window_params = [{transform_indices = #map}, {transform_indices = #map}, {transform_indices = #map1}, {transform_indices = #map1}, {transform_indices = #map}, {transform_indices = #map1}, {transform_indices = #map1}, {transform_indices = #map1}]} {
    %mul3A = arith.constant 6256 : i32
    %mul3A_0 = arith.muli %arg1, %mul3A : i32
    "tpu.region"() ({
      %run_scoped3A = tpu.sem_alloc : memref<!tpu.dma_semaphore, #tpu.memory_space<semaphore_mem>>
      tpu.enqueue_dma source(%arg5 : memref<6256xf32, #tpu.memory_space<hbm>>) target(%arg20 : memref<6256xf32, #tpu.memory_space<vmem>>) target_semaphore(%run_scoped3A : memref<!tpu.dma_semaphore, #tpu.memory_space<semaphore_mem>>)
      tpu.wait_dma2 semaphore(%run_scoped3A : memref<!tpu.dma_semaphore, #tpu.memory_space<semaphore_mem>>) src(%arg5 : memref<6256xf32, #tpu.memory_space<hbm>>) dst(%arg20 : memref<6256xf32, #tpu.memory_space<vmem>>)
      tpu.yield
    }) : () -> ()
    "tpu.region"() ({
      %run_scoped3A = tpu.sem_alloc : memref<!tpu.dma_semaphore, #tpu.memory_space<semaphore_mem>>
      %dma_start3A_43 = tpu.memref_slice %arg11[%mul3A_0] : memref<100096xf32, #tpu.memory_space<vmem_shared>> -> memref<6256xf32, #tpu.memory_space<vmem_shared>>
      %dma_start3A_44 = tpu.memref_slice %arg11[%mul3A_0] : memref<100096xf32, #tpu.memory_space<vmem_shared>> -> memref<6256xf32, #tpu.memory_space<vmem_shared>>
      tpu.enqueue_dma source(%arg20 : memref<6256xf32, #tpu.memory_space<vmem>>) target(%dma_start3A_44 : memref<6256xf32, #tpu.memory_space<vmem_shared>>) target_semaphore(%run_scoped3A : memref<!tpu.dma_semaphore, #tpu.memory_space<semaphore_mem>>)
      %dma_wait3A_45 = tpu.memref_slice %arg11[%mul3A_0] : memref<100096xf32, #tpu.memory_space<vmem_shared>> -> memref<6256xf32, #tpu.memory_space<vmem_shared>>
      %dma_wait3A_46 = tpu.memref_slice %arg11[%mul3A_0] : memref<100096xf32, #tpu.memory_space<vmem_shared>> -> memref<6256xf32, #tpu.memory_space<vmem_shared>>
      tpu.wait_dma2 semaphore(%run_scoped3A : memref<!tpu.dma_semaphore, #tpu.memory_space<semaphore_mem>>) src(%arg20 : memref<6256xf32, #tpu.memory_space<vmem>>) dst(%dma_wait3A_46 : memref<6256xf32, #tpu.memory_space<vmem_shared>>)
      tpu.yield
    }) : () -> ()
    "tpu.region"() ({
      %run_scoped3A = tpu.sem_alloc : memref<!tpu.dma_semaphore, #tpu.memory_space<semaphore_mem>>
      %dma_start3A_43 = tpu.memref_slice %arg12[%mul3A_0] : memref<100096xf32, #tpu.memory_space<vmem_shared>> -> memref<6256xf32, #tpu.memory_space<vmem_shared>>
      %dma_start3A_44 = tpu.memref_slice %arg12[%mul3A_0] : memref<100096xf32, #tpu.memory_space<vmem_shared>> -> memref<6256xf32, #tpu.memory_space<vmem_shared>>
      tpu.enqueue_dma source(%arg20 : memref<6256xf32, #tpu.memory_space<vmem>>) target(%dma_start3A_44 : memref<6256xf32, #tpu.memory_space<vmem_shared>>) target_semaphore(%run_scoped3A : memref<!tpu.dma_semaphore, #tpu.memory_space<semaphore_mem>>)
      %dma_wait3A_45 = tpu.memref_slice %arg12[%mul3A_0] : memref<100096xf32, #tpu.memory_space<vmem_shared>> -> memref<6256xf32, #tpu.memory_space<vmem_shared>>
      %dma_wait3A_46 = tpu.memref_slice %arg12[%mul3A_0] : memref<100096xf32, #tpu.memory_space<vmem_shared>> -> memref<6256xf32, #tpu.memory_space<vmem_shared>>
      tpu.wait_dma2 semaphore(%run_scoped3A : memref<!tpu.dma_semaphore, #tpu.memory_space<semaphore_mem>>) src(%arg20 : memref<6256xf32, #tpu.memory_space<vmem>>) dst(%dma_wait3A_46 : memref<6256xf32, #tpu.memory_space<vmem_shared>>)
      tpu.yield
    }) : () -> ()
    "tpu.region"() ({
      %run_scoped3A = tpu.sem_alloc : memref<!tpu.dma_semaphore, #tpu.memory_space<semaphore_mem>>
      tpu.enqueue_dma source(%arg7 : memref<128xf32, #tpu.memory_space<hbm>>) target(%arg19 : memref<128xf32, #tpu.memory_space<vmem>>) target_semaphore(%run_scoped3A : memref<!tpu.dma_semaphore, #tpu.memory_space<semaphore_mem>>)
      tpu.wait_dma2 semaphore(%run_scoped3A : memref<!tpu.dma_semaphore, #tpu.memory_space<semaphore_mem>>) src(%arg7 : memref<128xf32, #tpu.memory_space<hbm>>) dst(%arg19 : memref<128xf32, #tpu.memory_space<vmem>>)
      tpu.yield
    }) : () -> ()
    "tpu.region"() ({
      %run_scoped3A = tpu.sem_alloc : memref<!tpu.dma_semaphore, #tpu.memory_space<semaphore_mem>>
      %dma_start3A_43 = tpu.memref_slice %arg4[%mul3A_0] : memref<100096xf32, #tpu.memory_space<hbm>> -> memref<6256xf32, #tpu.memory_space<hbm>>
      %dma_start3A_44 = tpu.memref_slice %arg4[%mul3A_0] : memref<100096xf32, #tpu.memory_space<hbm>> -> memref<6256xf32, #tpu.memory_space<hbm>>
      tpu.enqueue_dma source(%dma_start3A_44 : memref<6256xf32, #tpu.memory_space<hbm>>) target(%arg20 : memref<6256xf32, #tpu.memory_space<vmem>>) target_semaphore(%run_scoped3A : memref<!tpu.dma_semaphore, #tpu.memory_space<semaphore_mem>>)
      %dma_wait3A_45 = tpu.memref_slice %arg4[%mul3A_0] : memref<100096xf32, #tpu.memory_space<hbm>> -> memref<6256xf32, #tpu.memory_space<hbm>>
      %dma_wait3A_46 = tpu.memref_slice %arg4[%mul3A_0] : memref<100096xf32, #tpu.memory_space<hbm>> -> memref<6256xf32, #tpu.memory_space<hbm>>
      tpu.wait_dma2 semaphore(%run_scoped3A : memref<!tpu.dma_semaphore, #tpu.memory_space<semaphore_mem>>) src(%dma_wait3A_46 : memref<6256xf32, #tpu.memory_space<hbm>>) dst(%arg20 : memref<6256xf32, #tpu.memory_space<vmem>>)
      tpu.yield
    }) : () -> ()
    "tpu.region"() ({
      %run_scoped3A = tpu.sem_alloc : memref<!tpu.dma_semaphore, #tpu.memory_space<semaphore_mem>>
      %dma_start3A_43 = tpu.memref_slice %arg10[%mul3A_0] : memref<100096xf32, #tpu.memory_space<vmem_shared>> -> memref<6256xf32, #tpu.memory_space<vmem_shared>>
      %dma_start3A_44 = tpu.memref_slice %arg10[%mul3A_0] : memref<100096xf32, #tpu.memory_space<vmem_shared>> -> memref<6256xf32, #tpu.memory_space<vmem_shared>>
      tpu.enqueue_dma source(%arg20 : memref<6256xf32, #tpu.memory_space<vmem>>) target(%dma_start3A_44 : memref<6256xf32, #tpu.memory_space<vmem_shared>>) target_semaphore(%run_scoped3A : memref<!tpu.dma_semaphore, #tpu.memory_space<semaphore_mem>>)
      %dma_wait3A_45 = tpu.memref_slice %arg10[%mul3A_0] : memref<100096xf32, #tpu.memory_space<vmem_shared>> -> memref<6256xf32, #tpu.memory_space<vmem_shared>>
      %dma_wait3A_46 = tpu.memref_slice %arg10[%mul3A_0] : memref<100096xf32, #tpu.memory_space<vmem_shared>> -> memref<6256xf32, #tpu.memory_space<vmem_shared>>
      tpu.wait_dma2 semaphore(%run_scoped3A : memref<!tpu.dma_semaphore, #tpu.memory_space<semaphore_mem>>) src(%arg20 : memref<6256xf32, #tpu.memory_space<vmem>>) dst(%dma_wait3A_46 : memref<6256xf32, #tpu.memory_space<vmem_shared>>)
      tpu.yield
    }) : () -> ()
    %barrier3A = arith.constant 0 : index
    tpu.barrier barrier_id(%barrier3A)
    %mul3A_1 = arith.constant 16 : i32
    %mul3A_2 = arith.muli %arg0, %mul3A_1 : i32
    %add3A = arith.addi %mul3A_2, %arg1 : i32
    %mul3A_3 = arith.constant 784 : i32
    %mul3A_4 = arith.muli %add3A, %mul3A_3 : i32
    %min3A = arith.constant 0 : i32
    %min3A_5 = arith.constant 13 : i32
    %min3A_6 = arith.minsi %min3A, %min3A_5 : i32
    %mul3A_7 = arith.constant 56 : i32
    %mul3A_8 = arith.muli %min3A_6, %mul3A_7 : i32
    %add3A_9 = arith.addi %mul3A_4, %mul3A_8 : i32
    %dma_start3A = arith.constant 0 : i32
    %dma_start3A_10 = tpu.memref_slice %arg2[%add3A_9, %dma_start3A] : memref<25088x128xi32, #tpu.memory_space<hbm>> -> memref<56x128xi32, #tpu.memory_space<hbm>>
    %dma_start3A_11 = arith.constant 0 : i32
    %dma_start3A_12 = tpu.memref_slice %arg2[%add3A_9, %dma_start3A_11] : memref<25088x128xi32, #tpu.memory_space<hbm>> -> memref<56x128xi32, #tpu.memory_space<hbm>>
    tpu.enqueue_dma source(%dma_start3A_12 : memref<56x128xi32, #tpu.memory_space<hbm>>) target(%arg13 : memref<56x128xi32, #tpu.memory_space<vmem>>) target_semaphore(%arg21 : memref<!tpu.dma_semaphore, #tpu.memory_space<semaphore_mem>>)
    %dma_start3A_13 = arith.constant 0 : i32
    %dma_start3A_14 = tpu.memref_slice %arg3[%add3A_9, %dma_start3A_13] : memref<25088x128xi32, #tpu.memory_space<hbm>> -> memref<56x128xi32, #tpu.memory_space<hbm>>
    %dma_start3A_15 = arith.constant 0 : i32
    %dma_start3A_16 = tpu.memref_slice %arg3[%add3A_9, %dma_start3A_15] : memref<25088x128xi32, #tpu.memory_space<hbm>> -> memref<56x128xi32, #tpu.memory_space<hbm>>
    tpu.enqueue_dma source(%dma_start3A_16 : memref<56x128xi32, #tpu.memory_space<hbm>>) target(%arg14 : memref<56x128xi32, #tpu.memory_space<vmem>>) target_semaphore(%arg21 : memref<!tpu.dma_semaphore, #tpu.memory_space<semaphore_mem>>)
    %dma_wait3A = arith.constant 0 : i32
    %dma_wait3A_17 = arith.constant 0 : i32
    %dma_wait3A_18 = tpu.memref_slice %arg2[%dma_wait3A, %dma_wait3A_17] : memref<25088x128xi32, #tpu.memory_space<hbm>> -> memref<56x128xi32, #tpu.memory_space<hbm>>
    %dma_wait3A_19 = arith.constant 0 : i32
    %dma_wait3A_20 = arith.constant 0 : i32
    %dma_wait3A_21 = tpu.memref_slice %arg2[%dma_wait3A_19, %dma_wait3A_20] : memref<25088x128xi32, #tpu.memory_space<hbm>> -> memref<56x128xi32, #tpu.memory_space<hbm>>
    tpu.wait_dma2 semaphore(%arg21 : memref<!tpu.dma_semaphore, #tpu.memory_space<semaphore_mem>>) src(%dma_wait3A_21 : memref<56x128xi32, #tpu.memory_space<hbm>>) dst(%arg13 : memref<56x128xi32, #tpu.memory_space<vmem>>)
    %dma_wait3A_22 = arith.constant 0 : i32
    %dma_wait3A_23 = arith.constant 0 : i32
    %dma_wait3A_24 = tpu.memref_slice %arg2[%dma_wait3A_22, %dma_wait3A_23] : memref<25088x128xi32, #tpu.memory_space<hbm>> -> memref<56x128xi32, #tpu.memory_space<hbm>>
    %dma_wait3A_25 = arith.constant 0 : i32
    %dma_wait3A_26 = arith.constant 0 : i32
    %dma_wait3A_27 = tpu.memref_slice %arg2[%dma_wait3A_25, %dma_wait3A_26] : memref<25088x128xi32, #tpu.memory_space<hbm>> -> memref<56x128xi32, #tpu.memory_space<hbm>>
    tpu.wait_dma2 semaphore(%arg21 : memref<!tpu.dma_semaphore, #tpu.memory_space<semaphore_mem>>) src(%dma_wait3A_27 : memref<56x128xi32, #tpu.memory_space<hbm>>) dst(%arg14 : memref<56x128xi32, #tpu.memory_space<vmem>>)
    %scan3A = arith.constant 0 : i32
    %scan3A_28 = arith.constant 0 : i32
    %scan3A_29 = arith.constant 56 : i32
    %scan3A_30 = arith.addi %scan3A_28, %scan3A_29 : i32
    %scan3A_31 = arith.constant 1 : i32
    scf.for %scan3A_43 = %scan3A_28 to %scan3A_30 step %scan3A_31  : i32 {
      %dma_start3A_44 = arith.constant 0 : i32
      %dma_start3A_45 = tpu.memref_slice %arg15[%scan3A_43, %dma_start3A_44] : memref<56x128xf32, #tpu.memory_space<vmem>> -> memref<1x128xf32, #tpu.memory_space<vmem>>
      %dma_start3A_46 = tpu.memref_squeeze %dma_start3A_45 : memref<1x128xf32, #tpu.memory_space<vmem>> -> memref<128xf32, #tpu.memory_space<vmem>>
      %dma_start3A_47 = arith.constant 0 : i32
      %dma_start3A_48 = tpu.memref_slice %arg13[%scan3A_43, %dma_start3A_47] : memref<56x128xi32, #tpu.memory_space<vmem>> -> memref<1x128xi32, #tpu.memory_space<vmem>>
      %dma_start3A_49 = tpu.memref_squeeze %dma_start3A_48 : memref<1x128xi32, #tpu.memory_space<vmem>> -> memref<128xi32, #tpu.memory_space<vmem>>
      %dma_start3A_50 = arith.constant 0 : i32
      %dma_start3A_51 = tpu.memref_slice %arg10[%dma_start3A_50] : memref<100096xf32, #tpu.memory_space<vmem_shared>> -> memref<100096xf32, #tpu.memory_space<vmem_shared>>
      tpu.enqueue_indirect_dma source(%dma_start3A_51 : memref<100096xf32, #tpu.memory_space<vmem_shared>>) target(%dma_start3A_46 : memref<128xf32, #tpu.memory_space<vmem>>) offsets(%dma_start3A_49 : memref<128xi32, #tpu.memory_space<vmem>>) semaphore(%arg22 : memref<!tpu.dma_semaphore, #tpu.memory_space<semaphore_mem>>)
    }
    %scan3A_32 = arith.constant 56 : i32
    %scan3A_33 = arith.constant 0 : i32
    %scan3A_34 = arith.constant 0 : i32
    %scan3A_35 = arith.constant 7 : i32
    %scan3A_36 = arith.addi %scan3A_34, %scan3A_35 : i32
    %scan3A_37 = arith.constant 1 : i32
    scf.for %scan3A_43 = %scan3A_34 to %scan3A_36 step %scan3A_37  : i32 {
      %mul3A_44 = arith.constant 2 : i32
      %mul3A_45 = arith.muli %scan3A_43, %mul3A_44 : i32
      %gt3A = arith.constant 0 : i32
      %gt3A_46 = arith.cmpi sgt, %scan3A_43, %gt3A : i32
      %convert_element_type3A = arith.extui %gt3A_46 : i1 to i32
      %cond3A = arith.constant 0 : i32
      %cond3A_47 = arith.cmpi ne, %convert_element_type3A, %cond3A : i32
      scf.if %cond3A_47 {
        tpu.wait_dma2 semaphore(%arg23 : memref<!tpu.dma_semaphore, #tpu.memory_space<semaphore_mem>>) src(%arg6 : memref<56x128xf32, #tpu.memory_space<hbm>>) dst(%arg15 : memref<56x128xf32, #tpu.memory_space<vmem>>)
        tpu.wait_dma2 semaphore(%arg23 : memref<!tpu.dma_semaphore, #tpu.memory_space<semaphore_mem>>) src(%arg6 : memref<56x128xf32, #tpu.memory_space<hbm>>) dst(%arg15 : memref<56x128xf32, #tpu.memory_space<vmem>>)
      } else {
      }
      %add3A_48 = arith.constant 1 : i32
      %add3A_49 = arith.addi %mul3A_45, %add3A_48 : i32
      %min3A_50 = arith.constant 13 : i32
      %min3A_51 = arith.minsi %add3A_49, %min3A_50 : i32
      %mul3A_52 = arith.constant 56 : i32
      %mul3A_53 = arith.muli %min3A_51, %mul3A_52 : i32
      %add3A_54 = arith.addi %mul3A_4, %mul3A_53 : i32
      %dma_start3A_55 = arith.constant 0 : i32
      %dma_start3A_56 = tpu.memref_slice %arg2[%add3A_54, %dma_start3A_55] : memref<25088x128xi32, #tpu.memory_space<hbm>> -> memref<56x128xi32, #tpu.memory_space<hbm>>
      %dma_start3A_57 = arith.constant 0 : i32
      %dma_start3A_58 = tpu.memref_slice %arg2[%add3A_54, %dma_start3A_57] : memref<25088x128xi32, #tpu.memory_space<hbm>> -> memref<56x128xi32, #tpu.memory_space<hbm>>
      tpu.enqueue_dma source(%dma_start3A_58 : memref<56x128xi32, #tpu.memory_space<hbm>>) target(%arg16 : memref<56x128xi32, #tpu.memory_space<vmem>>) target_semaphore(%arg21 : memref<!tpu.dma_semaphore, #tpu.memory_space<semaphore_mem>>)
      %dma_start3A_59 = arith.constant 0 : i32
      %dma_start3A_60 = tpu.memref_slice %arg3[%add3A_54, %dma_start3A_59] : memref<25088x128xi32, #tpu.memory_space<hbm>> -> memref<56x128xi32, #tpu.memory_space<hbm>>
      %dma_start3A_61 = arith.constant 0 : i32
      %dma_start3A_62 = tpu.memref_slice %arg3[%add3A_54, %dma_start3A_61] : memref<25088x128xi32, #tpu.memory_space<hbm>> -> memref<56x128xi32, #tpu.memory_space<hbm>>
      tpu.enqueue_dma source(%dma_start3A_62 : memref<56x128xi32, #tpu.memory_space<hbm>>) target(%arg17 : memref<56x128xi32, #tpu.memory_space<vmem>>) target_semaphore(%arg21 : memref<!tpu.dma_semaphore, #tpu.memory_space<semaphore_mem>>)
      tpu.wait_dma2 semaphore(%arg22 : memref<!tpu.dma_semaphore, #tpu.memory_space<semaphore_mem>>) src(%arg6 : memref<56x128xf32, #tpu.memory_space<hbm>>) dst(%arg15 : memref<56x128xf32, #tpu.memory_space<vmem>>)
      %scan3A_63 = arith.constant 0 : i32
      %scan3A_64 = arith.constant 0 : i32
      %scan3A_65 = arith.constant 56 : i32
      %scan3A_66 = arith.addi %scan3A_64, %scan3A_65 : i32
      %scan3A_67 = arith.constant 1 : i32
      scf.for %scan3A_140 = %scan3A_64 to %scan3A_66 step %scan3A_67  : i32 {
        %dma_start3A_141 = arith.constant 0 : i32
        %dma_start3A_142 = tpu.memref_slice %arg14[%scan3A_140, %dma_start3A_141] : memref<56x128xi32, #tpu.memory_space<vmem>> -> memref<1x128xi32, #tpu.memory_space<vmem>>
        %dma_start3A_143 = tpu.memref_squeeze %dma_start3A_142 : memref<1x128xi32, #tpu.memory_space<vmem>> -> memref<128xi32, #tpu.memory_space<vmem>>
        %dma_start3A_144 = arith.constant 0 : i32
        %dma_start3A_145 = tpu.memref_slice %arg12[%dma_start3A_144] : memref<100096xf32, #tpu.memory_space<vmem_shared>> -> memref<100096xf32, #tpu.memory_space<vmem_shared>>
        tpu.enqueue_indirect_dma source(%arg19 : memref<128xf32, #tpu.memory_space<vmem>>) target(%dma_start3A_145 : memref<100096xf32, #tpu.memory_space<vmem_shared>>) offsets(%dma_start3A_143 : memref<128xi32, #tpu.memory_space<vmem>>) semaphore(%arg23 : memref<!tpu.dma_semaphore, #tpu.memory_space<semaphore_mem>>) {add = true}
      }
      %scan3A_68 = arith.constant 56 : i32
      %scan3A_69 = arith.constant 0 : i32
      %scan3A_70 = arith.constant 0 : i32
      %scan3A_71 = arith.constant 56 : i32
      %scan3A_72 = arith.addi %scan3A_70, %scan3A_71 : i32
      %scan3A_73 = arith.constant 1 : i32
      scf.for %scan3A_140 = %scan3A_70 to %scan3A_72 step %scan3A_73  : i32 {
        %dma_start3A_141 = arith.constant 0 : i32
        %dma_start3A_142 = tpu.memref_slice %arg15[%scan3A_140, %dma_start3A_141] : memref<56x128xf32, #tpu.memory_space<vmem>> -> memref<1x128xf32, #tpu.memory_space<vmem>>
        %dma_start3A_143 = tpu.memref_squeeze %dma_start3A_142 : memref<1x128xf32, #tpu.memory_space<vmem>> -> memref<128xf32, #tpu.memory_space<vmem>>
        %dma_start3A_144 = arith.constant 0 : i32
        %dma_start3A_145 = tpu.memref_slice %arg14[%scan3A_140, %dma_start3A_144] : memref<56x128xi32, #tpu.memory_space<vmem>> -> memref<1x128xi32, #tpu.memory_space<vmem>>
        %dma_start3A_146 = tpu.memref_squeeze %dma_start3A_145 : memref<1x128xi32, #tpu.memory_space<vmem>> -> memref<128xi32, #tpu.memory_space<vmem>>
        %dma_start3A_147 = arith.constant 0 : i32
        %dma_start3A_148 = tpu.memref_slice %arg11[%dma_start3A_147] : memref<100096xf32, #tpu.memory_space<vmem_shared>> -> memref<100096xf32, #tpu.memory_space<vmem_shared>>
        tpu.enqueue_indirect_dma source(%dma_start3A_143 : memref<128xf32, #tpu.memory_space<vmem>>) target(%dma_start3A_148 : memref<100096xf32, #tpu.memory_space<vmem_shared>>) offsets(%dma_start3A_146 : memref<128xi32, #tpu.memory_space<vmem>>) semaphore(%arg23 : memref<!tpu.dma_semaphore, #tpu.memory_space<semaphore_mem>>) {add = true}
      }
      %scan3A_74 = arith.constant 56 : i32
      %dma_wait3A_75 = arith.constant 0 : i32
      %dma_wait3A_76 = arith.constant 0 : i32
      %dma_wait3A_77 = tpu.memref_slice %arg2[%dma_wait3A_75, %dma_wait3A_76] : memref<25088x128xi32, #tpu.memory_space<hbm>> -> memref<56x128xi32, #tpu.memory_space<hbm>>
      %dma_wait3A_78 = arith.constant 0 : i32
      %dma_wait3A_79 = arith.constant 0 : i32
      %dma_wait3A_80 = tpu.memref_slice %arg2[%dma_wait3A_78, %dma_wait3A_79] : memref<25088x128xi32, #tpu.memory_space<hbm>> -> memref<56x128xi32, #tpu.memory_space<hbm>>
      tpu.wait_dma2 semaphore(%arg21 : memref<!tpu.dma_semaphore, #tpu.memory_space<semaphore_mem>>) src(%dma_wait3A_80 : memref<56x128xi32, #tpu.memory_space<hbm>>) dst(%arg16 : memref<56x128xi32, #tpu.memory_space<vmem>>)
      %dma_wait3A_81 = arith.constant 0 : i32
      %dma_wait3A_82 = arith.constant 0 : i32
      %dma_wait3A_83 = tpu.memref_slice %arg2[%dma_wait3A_81, %dma_wait3A_82] : memref<25088x128xi32, #tpu.memory_space<hbm>> -> memref<56x128xi32, #tpu.memory_space<hbm>>
      %dma_wait3A_84 = arith.constant 0 : i32
      %dma_wait3A_85 = arith.constant 0 : i32
      %dma_wait3A_86 = tpu.memref_slice %arg2[%dma_wait3A_84, %dma_wait3A_85] : memref<25088x128xi32, #tpu.memory_space<hbm>> -> memref<56x128xi32, #tpu.memory_space<hbm>>
      tpu.wait_dma2 semaphore(%arg21 : memref<!tpu.dma_semaphore, #tpu.memory_space<semaphore_mem>>) src(%dma_wait3A_86 : memref<56x128xi32, #tpu.memory_space<hbm>>) dst(%arg17 : memref<56x128xi32, #tpu.memory_space<vmem>>)
      %scan3A_87 = arith.constant 0 : i32
      %scan3A_88 = arith.constant 0 : i32
      %scan3A_89 = arith.constant 56 : i32
      %scan3A_90 = arith.addi %scan3A_88, %scan3A_89 : i32
      %scan3A_91 = arith.constant 1 : i32
      scf.for %scan3A_140 = %scan3A_88 to %scan3A_90 step %scan3A_91  : i32 {
        %dma_start3A_141 = arith.constant 0 : i32
        %dma_start3A_142 = tpu.memref_slice %arg18[%scan3A_140, %dma_start3A_141] : memref<56x128xf32, #tpu.memory_space<vmem>> -> memref<1x128xf32, #tpu.memory_space<vmem>>
        %dma_start3A_143 = tpu.memref_squeeze %dma_start3A_142 : memref<1x128xf32, #tpu.memory_space<vmem>> -> memref<128xf32, #tpu.memory_space<vmem>>
        %dma_start3A_144 = arith.constant 0 : i32
        %dma_start3A_145 = tpu.memref_slice %arg16[%scan3A_140, %dma_start3A_144] : memref<56x128xi32, #tpu.memory_space<vmem>> -> memref<1x128xi32, #tpu.memory_space<vmem>>
        %dma_start3A_146 = tpu.memref_squeeze %dma_start3A_145 : memref<1x128xi32, #tpu.memory_space<vmem>> -> memref<128xi32, #tpu.memory_space<vmem>>
        %dma_start3A_147 = arith.constant 0 : i32
        %dma_start3A_148 = tpu.memref_slice %arg10[%dma_start3A_147] : memref<100096xf32, #tpu.memory_space<vmem_shared>> -> memref<100096xf32, #tpu.memory_space<vmem_shared>>
        tpu.enqueue_indirect_dma source(%dma_start3A_148 : memref<100096xf32, #tpu.memory_space<vmem_shared>>) target(%dma_start3A_143 : memref<128xf32, #tpu.memory_space<vmem>>) offsets(%dma_start3A_146 : memref<128xi32, #tpu.memory_space<vmem>>) semaphore(%arg22 : memref<!tpu.dma_semaphore, #tpu.memory_space<semaphore_mem>>)
      }
      %scan3A_92 = arith.constant 56 : i32
      %add3A_93 = arith.constant 1 : i32
      %add3A_94 = arith.addi %mul3A_45, %add3A_93 : i32
      tpu.wait_dma2 semaphore(%arg23 : memref<!tpu.dma_semaphore, #tpu.memory_space<semaphore_mem>>) src(%arg6 : memref<56x128xf32, #tpu.memory_space<hbm>>) dst(%arg15 : memref<56x128xf32, #tpu.memory_space<vmem>>)
      tpu.wait_dma2 semaphore(%arg23 : memref<!tpu.dma_semaphore, #tpu.memory_space<semaphore_mem>>) src(%arg6 : memref<56x128xf32, #tpu.memory_space<hbm>>) dst(%arg15 : memref<56x128xf32, #tpu.memory_space<vmem>>)
      %add3A_95 = arith.constant 1 : i32
      %add3A_96 = arith.addi %add3A_94, %add3A_95 : i32
      %min3A_97 = arith.constant 13 : i32
      %min3A_98 = arith.minsi %add3A_96, %min3A_97 : i32
      %mul3A_99 = arith.constant 56 : i32
      %mul3A_100 = arith.muli %min3A_98, %mul3A_99 : i32
      %add3A_101 = arith.addi %mul3A_4, %mul3A_100 : i32
      %dma_start3A_102 = arith.constant 0 : i32
      %dma_start3A_103 = tpu.memref_slice %arg2[%add3A_101, %dma_start3A_102] : memref<25088x128xi32, #tpu.memory_space<hbm>> -> memref<56x128xi32, #tpu.memory_space<hbm>>
      %dma_start3A_104 = arith.constant 0 : i32
      %dma_start3A_105 = tpu.memref_slice %arg2[%add3A_101, %dma_start3A_104] : memref<25088x128xi32, #tpu.memory_space<hbm>> -> memref<56x128xi32, #tpu.memory_space<hbm>>
      tpu.enqueue_dma source(%dma_start3A_105 : memref<56x128xi32, #tpu.memory_space<hbm>>) target(%arg13 : memref<56x128xi32, #tpu.memory_space<vmem>>) target_semaphore(%arg21 : memref<!tpu.dma_semaphore, #tpu.memory_space<semaphore_mem>>)
      %dma_start3A_106 = arith.constant 0 : i32
      %dma_start3A_107 = tpu.memref_slice %arg3[%add3A_101, %dma_start3A_106] : memref<25088x128xi32, #tpu.memory_space<hbm>> -> memref<56x128xi32, #tpu.memory_space<hbm>>
      %dma_start3A_108 = arith.constant 0 : i32
      %dma_start3A_109 = tpu.memref_slice %arg3[%add3A_101, %dma_start3A_108] : memref<25088x128xi32, #tpu.memory_space<hbm>> -> memref<56x128xi32, #tpu.memory_space<hbm>>
      tpu.enqueue_dma source(%dma_start3A_109 : memref<56x128xi32, #tpu.memory_space<hbm>>) target(%arg14 : memref<56x128xi32, #tpu.memory_space<vmem>>) target_semaphore(%arg21 : memref<!tpu.dma_semaphore, #tpu.memory_space<semaphore_mem>>)
      tpu.wait_dma2 semaphore(%arg22 : memref<!tpu.dma_semaphore, #tpu.memory_space<semaphore_mem>>) src(%arg6 : memref<56x128xf32, #tpu.memory_space<hbm>>) dst(%arg15 : memref<56x128xf32, #tpu.memory_space<vmem>>)
      %scan3A_110 = arith.constant 0 : i32
      %scan3A_111 = arith.constant 0 : i32
      %scan3A_112 = arith.constant 56 : i32
      %scan3A_113 = arith.addi %scan3A_111, %scan3A_112 : i32
      %scan3A_114 = arith.constant 1 : i32
      scf.for %scan3A_140 = %scan3A_111 to %scan3A_113 step %scan3A_114  : i32 {
        %dma_start3A_141 = arith.constant 0 : i32
        %dma_start3A_142 = tpu.memref_slice %arg17[%scan3A_140, %dma_start3A_141] : memref<56x128xi32, #tpu.memory_space<vmem>> -> memref<1x128xi32, #tpu.memory_space<vmem>>
        %dma_start3A_143 = tpu.memref_squeeze %dma_start3A_142 : memref<1x128xi32, #tpu.memory_space<vmem>> -> memref<128xi32, #tpu.memory_space<vmem>>
        %dma_start3A_144 = arith.constant 0 : i32
        %dma_start3A_145 = tpu.memref_slice %arg12[%dma_start3A_144] : memref<100096xf32, #tpu.memory_space<vmem_shared>> -> memref<100096xf32, #tpu.memory_space<vmem_shared>>
        tpu.enqueue_indirect_dma source(%arg19 : memref<128xf32, #tpu.memory_space<vmem>>) target(%dma_start3A_145 : memref<100096xf32, #tpu.memory_space<vmem_shared>>) offsets(%dma_start3A_143 : memref<128xi32, #tpu.memory_space<vmem>>) semaphore(%arg23 : memref<!tpu.dma_semaphore, #tpu.memory_space<semaphore_mem>>) {add = true}
      }
      %scan3A_115 = arith.constant 56 : i32
      %scan3A_116 = arith.constant 0 : i32
      %scan3A_117 = arith.constant 0 : i32
      %scan3A_118 = arith.constant 56 : i32
      %scan3A_119 = arith.addi %scan3A_117, %scan3A_118 : i32
      %scan3A_120 = arith.constant 1 : i32
      scf.for %scan3A_140 = %scan3A_117 to %scan3A_119 step %scan3A_120  : i32 {
        %dma_start3A_141 = arith.constant 0 : i32
        %dma_start3A_142 = tpu.memref_slice %arg18[%scan3A_140, %dma_start3A_141] : memref<56x128xf32, #tpu.memory_space<vmem>> -> memref<1x128xf32, #tpu.memory_space<vmem>>
        %dma_start3A_143 = tpu.memref_squeeze %dma_start3A_142 : memref<1x128xf32, #tpu.memory_space<vmem>> -> memref<128xf32, #tpu.memory_space<vmem>>
        %dma_start3A_144 = arith.constant 0 : i32
        %dma_start3A_145 = tpu.memref_slice %arg17[%scan3A_140, %dma_start3A_144] : memref<56x128xi32, #tpu.memory_space<vmem>> -> memref<1x128xi32, #tpu.memory_space<vmem>>
        %dma_start3A_146 = tpu.memref_squeeze %dma_start3A_145 : memref<1x128xi32, #tpu.memory_space<vmem>> -> memref<128xi32, #tpu.memory_space<vmem>>
        %dma_start3A_147 = arith.constant 0 : i32
        %dma_start3A_148 = tpu.memref_slice %arg11[%dma_start3A_147] : memref<100096xf32, #tpu.memory_space<vmem_shared>> -> memref<100096xf32, #tpu.memory_space<vmem_shared>>
        tpu.enqueue_indirect_dma source(%dma_start3A_143 : memref<128xf32, #tpu.memory_space<vmem>>) target(%dma_start3A_148 : memref<100096xf32, #tpu.memory_space<vmem_shared>>) offsets(%dma_start3A_146 : memref<128xi32, #tpu.memory_space<vmem>>) semaphore(%arg23 : memref<!tpu.dma_semaphore, #tpu.memory_space<semaphore_mem>>) {add = true}
      }
      %scan3A_121 = arith.constant 56 : i32
      %dma_wait3A_122 = arith.constant 0 : i32
      %dma_wait3A_123 = arith.constant 0 : i32
      %dma_wait3A_124 = tpu.memref_slice %arg2[%dma_wait3A_122, %dma_wait3A_123] : memref<25088x128xi32, #tpu.memory_space<hbm>> -> memref<56x128xi32, #tpu.memory_space<hbm>>
      %dma_wait3A_125 = arith.constant 0 : i32
      %dma_wait3A_126 = arith.constant 0 : i32
      %dma_wait3A_127 = tpu.memref_slice %arg2[%dma_wait3A_125, %dma_wait3A_126] : memref<25088x128xi32, #tpu.memory_space<hbm>> -> memref<56x128xi32, #tpu.memory_space<hbm>>
      tpu.wait_dma2 semaphore(%arg21 : memref<!tpu.dma_semaphore, #tpu.memory_space<semaphore_mem>>) src(%dma_wait3A_127 : memref<56x128xi32, #tpu.memory_space<hbm>>) dst(%arg13 : memref<56x128xi32, #tpu.memory_space<vmem>>)
      %dma_wait3A_128 = arith.constant 0 : i32
      %dma_wait3A_129 = arith.constant 0 : i32
      %dma_wait3A_130 = tpu.memref_slice %arg2[%dma_wait3A_128, %dma_wait3A_129] : memref<25088x128xi32, #tpu.memory_space<hbm>> -> memref<56x128xi32, #tpu.memory_space<hbm>>
      %dma_wait3A_131 = arith.constant 0 : i32
      %dma_wait3A_132 = arith.constant 0 : i32
      %dma_wait3A_133 = tpu.memref_slice %arg2[%dma_wait3A_131, %dma_wait3A_132] : memref<25088x128xi32, #tpu.memory_space<hbm>> -> memref<56x128xi32, #tpu.memory_space<hbm>>
      tpu.wait_dma2 semaphore(%arg21 : memref<!tpu.dma_semaphore, #tpu.memory_space<semaphore_mem>>) src(%dma_wait3A_133 : memref<56x128xi32, #tpu.memory_space<hbm>>) dst(%arg14 : memref<56x128xi32, #tpu.memory_space<vmem>>)
      %scan3A_134 = arith.constant 0 : i32
      %scan3A_135 = arith.constant 0 : i32
      %scan3A_136 = arith.constant 56 : i32
      %scan3A_137 = arith.addi %scan3A_135, %scan3A_136 : i32
      %scan3A_138 = arith.constant 1 : i32
      scf.for %scan3A_140 = %scan3A_135 to %scan3A_137 step %scan3A_138  : i32 {
        %dma_start3A_141 = arith.constant 0 : i32
        %dma_start3A_142 = tpu.memref_slice %arg15[%scan3A_140, %dma_start3A_141] : memref<56x128xf32, #tpu.memory_space<vmem>> -> memref<1x128xf32, #tpu.memory_space<vmem>>
        %dma_start3A_143 = tpu.memref_squeeze %dma_start3A_142 : memref<1x128xf32, #tpu.memory_space<vmem>> -> memref<128xf32, #tpu.memory_space<vmem>>
        %dma_start3A_144 = arith.constant 0 : i32
        %dma_start3A_145 = tpu.memref_slice %arg13[%scan3A_140, %dma_start3A_144] : memref<56x128xi32, #tpu.memory_space<vmem>> -> memref<1x128xi32, #tpu.memory_space<vmem>>
        %dma_start3A_146 = tpu.memref_squeeze %dma_start3A_145 : memref<1x128xi32, #tpu.memory_space<vmem>> -> memref<128xi32, #tpu.memory_space<vmem>>
        %dma_start3A_147 = arith.constant 0 : i32
        %dma_start3A_148 = tpu.memref_slice %arg10[%dma_start3A_147] : memref<100096xf32, #tpu.memory_space<vmem_shared>> -> memref<100096xf32, #tpu.memory_space<vmem_shared>>
        tpu.enqueue_indirect_dma source(%dma_start3A_148 : memref<100096xf32, #tpu.memory_space<vmem_shared>>) target(%dma_start3A_143 : memref<128xf32, #tpu.memory_space<vmem>>) offsets(%dma_start3A_146 : memref<128xi32, #tpu.memory_space<vmem>>) semaphore(%arg22 : memref<!tpu.dma_semaphore, #tpu.memory_space<semaphore_mem>>)
      }
      %scan3A_139 = arith.constant 56 : i32
    }
    %scan3A_38 = arith.constant 7 : i32
    tpu.wait_dma2 semaphore(%arg23 : memref<!tpu.dma_semaphore, #tpu.memory_space<semaphore_mem>>) src(%arg6 : memref<56x128xf32, #tpu.memory_space<hbm>>) dst(%arg15 : memref<56x128xf32, #tpu.memory_space<vmem>>)
    tpu.wait_dma2 semaphore(%arg23 : memref<!tpu.dma_semaphore, #tpu.memory_space<semaphore_mem>>) src(%arg6 : memref<56x128xf32, #tpu.memory_space<hbm>>) dst(%arg15 : memref<56x128xf32, #tpu.memory_space<vmem>>)
    tpu.wait_dma2 semaphore(%arg22 : memref<!tpu.dma_semaphore, #tpu.memory_space<semaphore_mem>>) src(%arg6 : memref<56x128xf32, #tpu.memory_space<hbm>>) dst(%arg15 : memref<56x128xf32, #tpu.memory_space<vmem>>)
    %barrier3A_39 = arith.constant 0 : index
    tpu.barrier barrier_id(%barrier3A_39)
    %mul3A_40 = arith.constant 100096 : i32
    %mul3A_41 = arith.muli %arg0, %mul3A_40 : i32
    %add3A_42 = arith.addi %mul3A_41, %mul3A_0 : i32
    "tpu.region"() ({
      %run_scoped3A = tpu.sem_alloc : memref<!tpu.dma_semaphore, #tpu.memory_space<semaphore_mem>>
      %dma_start3A_43 = tpu.memref_slice %arg11[%mul3A_0] : memref<100096xf32, #tpu.memory_space<vmem_shared>> -> memref<6256xf32, #tpu.memory_space<vmem_shared>>
      %dma_start3A_44 = tpu.memref_slice %arg11[%mul3A_0] : memref<100096xf32, #tpu.memory_space<vmem_shared>> -> memref<6256xf32, #tpu.memory_space<vmem_shared>>
      tpu.enqueue_dma source(%dma_start3A_44 : memref<6256xf32, #tpu.memory_space<vmem_shared>>) target(%arg20 : memref<6256xf32, #tpu.memory_space<vmem>>) target_semaphore(%run_scoped3A : memref<!tpu.dma_semaphore, #tpu.memory_space<semaphore_mem>>)
      %dma_wait3A_45 = tpu.memref_slice %arg11[%mul3A_0] : memref<100096xf32, #tpu.memory_space<vmem_shared>> -> memref<6256xf32, #tpu.memory_space<vmem_shared>>
      %dma_wait3A_46 = tpu.memref_slice %arg11[%mul3A_0] : memref<100096xf32, #tpu.memory_space<vmem_shared>> -> memref<6256xf32, #tpu.memory_space<vmem_shared>>
      tpu.wait_dma2 semaphore(%run_scoped3A : memref<!tpu.dma_semaphore, #tpu.memory_space<semaphore_mem>>) src(%dma_wait3A_46 : memref<6256xf32, #tpu.memory_space<vmem_shared>>) dst(%arg20 : memref<6256xf32, #tpu.memory_space<vmem>>)
      tpu.yield
    }) : () -> ()
    "tpu.region"() ({
      %run_scoped3A = tpu.sem_alloc : memref<!tpu.dma_semaphore, #tpu.memory_space<semaphore_mem>>
      %dma_start3A_43 = tpu.memref_slice %arg8[%add3A_42] : memref<200192xf32, #tpu.memory_space<hbm>> -> memref<6256xf32, #tpu.memory_space<hbm>>
      %dma_start3A_44 = tpu.memref_slice %arg8[%add3A_42] : memref<200192xf32, #tpu.memory_space<hbm>> -> memref<6256xf32, #tpu.memory_space<hbm>>
      tpu.enqueue_dma source(%arg20 : memref<6256xf32, #tpu.memory_space<vmem>>) target(%dma_start3A_44 : memref<6256xf32, #tpu.memory_space<hbm>>) target_semaphore(%run_scoped3A : memref<!tpu.dma_semaphore, #tpu.memory_space<semaphore_mem>>)
      %dma_wait3A_45 = tpu.memref_slice %arg8[%add3A_42] : memref<200192xf32, #tpu.memory_space<hbm>> -> memref<6256xf32, #tpu.memory_space<hbm>>
      %dma_wait3A_46 = tpu.memref_slice %arg8[%add3A_42] : memref<200192xf32, #tpu.memory_space<hbm>> -> memref<6256xf32, #tpu.memory_space<hbm>>
      tpu.wait_dma2 semaphore(%run_scoped3A : memref<!tpu.dma_semaphore, #tpu.memory_space<semaphore_mem>>) src(%arg20 : memref<6256xf32, #tpu.memory_space<vmem>>) dst(%dma_wait3A_46 : memref<6256xf32, #tpu.memory_space<hbm>>)
      tpu.yield
    }) : () -> ()
    "tpu.region"() ({
      %run_scoped3A = tpu.sem_alloc : memref<!tpu.dma_semaphore, #tpu.memory_space<semaphore_mem>>
      %dma_start3A_43 = tpu.memref_slice %arg12[%mul3A_0] : memref<100096xf32, #tpu.memory_space<vmem_shared>> -> memref<6256xf32, #tpu.memory_space<vmem_shared>>
      %dma_start3A_44 = tpu.memref_slice %arg12[%mul3A_0] : memref<100096xf32, #tpu.memory_space<vmem_shared>> -> memref<6256xf32, #tpu.memory_space<vmem_shared>>
      tpu.enqueue_dma source(%dma_start3A_44 : memref<6256xf32, #tpu.memory_space<vmem_shared>>) target(%arg20 : memref<6256xf32, #tpu.memory_space<vmem>>) target_semaphore(%run_scoped3A : memref<!tpu.dma_semaphore, #tpu.memory_space<semaphore_mem>>)
      %dma_wait3A_45 = tpu.memref_slice %arg12[%mul3A_0] : memref<100096xf32, #tpu.memory_space<vmem_shared>> -> memref<6256xf32, #tpu.memory_space<vmem_shared>>
      %dma_wait3A_46 = tpu.memref_slice %arg12[%mul3A_0] : memref<100096xf32, #tpu.memory_space<vmem_shared>> -> memref<6256xf32, #tpu.memory_space<vmem_shared>>
      tpu.wait_dma2 semaphore(%run_scoped3A : memref<!tpu.dma_semaphore, #tpu.memory_space<semaphore_mem>>) src(%dma_wait3A_46 : memref<6256xf32, #tpu.memory_space<vmem_shared>>) dst(%arg20 : memref<6256xf32, #tpu.memory_space<vmem>>)
      tpu.yield
    }) : () -> ()
    "tpu.region"() ({
      %run_scoped3A = tpu.sem_alloc : memref<!tpu.dma_semaphore, #tpu.memory_space<semaphore_mem>>
      %dma_start3A_43 = tpu.memref_slice %arg9[%add3A_42] : memref<200192xf32, #tpu.memory_space<hbm>> -> memref<6256xf32, #tpu.memory_space<hbm>>
      %dma_start3A_44 = tpu.memref_slice %arg9[%add3A_42] : memref<200192xf32, #tpu.memory_space<hbm>> -> memref<6256xf32, #tpu.memory_space<hbm>>
      tpu.enqueue_dma source(%arg20 : memref<6256xf32, #tpu.memory_space<vmem>>) target(%dma_start3A_44 : memref<6256xf32, #tpu.memory_space<hbm>>) target_semaphore(%run_scoped3A : memref<!tpu.dma_semaphore, #tpu.memory_space<semaphore_mem>>)
      %dma_wait3A_45 = tpu.memref_slice %arg9[%add3A_42] : memref<200192xf32, #tpu.memory_space<hbm>> -> memref<6256xf32, #tpu.memory_space<hbm>>
      %dma_wait3A_46 = tpu.memref_slice %arg9[%add3A_42] : memref<200192xf32, #tpu.memory_space<hbm>> -> memref<6256xf32, #tpu.memory_space<hbm>>
      tpu.wait_dma2 semaphore(%run_scoped3A : memref<!tpu.dma_semaphore, #tpu.memory_space<semaphore_mem>>) src(%arg20 : memref<6256xf32, #tpu.memory_space<vmem>>) dst(%dma_wait3A_46 : memref<6256xf32, #tpu.memory_space<hbm>>)
      tpu.yield
    }) : () -> ()
    return
  }
}

module attributes {stable_mosaic.version = 14 : i64} {
  func.func @sage_tc_mid(%arg0: memref<2x782x128xf32, #tpu.memory_space<vmem>>, %arg1: memref<2x782x128xf32, #tpu.memory_space<vmem>>, %arg2: memref<782x128xf32, #tpu.memory_space<vmem>>, %arg3: memref<6x16xf32, #tpu.memory_space<smem>>, %arg4: memref<782x128xf32, #tpu.memory_space<vmem>>, %arg5: memref<782x128xf32, #tpu.memory_space<vmem>>, %arg6: memref<782x128xf32, #tpu.memory_space<vmem>>) attributes {dimension_semantics = [], scalar_prefetch = 0 : i64, scratch_operands = 0 : i64, tpu.core_type = #tpu.core_type<tc>} {
    %get3A = arith.constant 0 : index
    %get3A_0 = arith.constant 0 : index
    %get3A_1 = arith.constant 0 : index
    %get3A_2 = vector.load %arg0[%get3A, %get3A_0, %get3A_1] : memref<2x782x128xf32, #tpu.memory_space<vmem>>, vector<1x782x128xf32>
    %get3A_3 = vector.shape_cast %get3A_2 : vector<1x782x128xf32> to vector<782x128xf32>
    %get3A_4 = arith.constant 1 : index
    %get3A_5 = arith.constant 0 : index
    %get3A_6 = arith.constant 0 : index
    %get3A_7 = vector.load %arg0[%get3A_4, %get3A_5, %get3A_6] : memref<2x782x128xf32, #tpu.memory_space<vmem>>, vector<1x782x128xf32>
    %get3A_8 = vector.shape_cast %get3A_7 : vector<1x782x128xf32> to vector<782x128xf32>
    %add3A = arith.addf %get3A_3, %get3A_8 : vector<782x128xf32>
    %get3A_9 = arith.constant 0 : index
    %get3A_10 = arith.constant 0 : index
    %get3A_11 = arith.constant 0 : index
    %get3A_12 = vector.load %arg1[%get3A_9, %get3A_10, %get3A_11] : memref<2x782x128xf32, #tpu.memory_space<vmem>>, vector<1x782x128xf32>
    %get3A_13 = vector.shape_cast %get3A_12 : vector<1x782x128xf32> to vector<782x128xf32>
    %get3A_14 = arith.constant 1 : index
    %get3A_15 = arith.constant 0 : index
    %get3A_16 = arith.constant 0 : index
    %get3A_17 = vector.load %arg1[%get3A_14, %get3A_15, %get3A_16] : memref<2x782x128xf32, #tpu.memory_space<vmem>>, vector<1x782x128xf32>
    %get3A_18 = vector.shape_cast %get3A_17 : vector<1x782x128xf32> to vector<782x128xf32>
    %add3A_19 = arith.addf %get3A_13, %get3A_18 : vector<782x128xf32>
    %max3A = arith.constant 1.000000e+00 : f32
    %max3A_20 = vector.broadcast %max3A : f32 to vector<782x128xf32>
    %max3A_21 = arith.maximumf %add3A_19, %max3A_20 : vector<782x128xf32>
    %div3A = arith.divf %add3A, %max3A_21 : vector<782x128xf32>
    %get3A_22 = arith.constant 0 : index
    %get3A_23 = arith.constant 0 : index
    %get3A_24 = vector.load %arg2[%get3A_22, %get3A_23] : memref<782x128xf32, #tpu.memory_space<vmem>>, vector<782x128xf32>
    %broadcast_in_dim3A = arith.constant 0.000000e+00 : f32
    %broadcast_in_dim3A_25 = vector.broadcast %broadcast_in_dim3A : f32 to vector<782x128xf32>
    %broadcast_in_dim3A_26 = arith.constant 0.000000e+00 : f32
    %broadcast_in_dim3A_27 = vector.broadcast %broadcast_in_dim3A_26 : f32 to vector<782x128xf32>
    %get3A_28 = arith.constant 0 : index
    %get3A_29 = arith.constant 0 : index
    %get3A_30 = memref.load %arg3[%get3A_28, %get3A_29] : memref<6x16xf32, #tpu.memory_space<smem>>
    %mul3A = vector.broadcast %get3A_30 : f32 to vector<782x128xf32>
    %mul3A_31 = arith.mulf %div3A, %mul3A : vector<782x128xf32>
    %get3A_32 = arith.constant 1 : index
    %get3A_33 = arith.constant 0 : index
    %get3A_34 = memref.load %arg3[%get3A_32, %get3A_33] : memref<6x16xf32, #tpu.memory_space<smem>>
    %mul3A_35 = vector.broadcast %get3A_34 : f32 to vector<782x128xf32>
    %mul3A_36 = arith.mulf %get3A_24, %mul3A_35 : vector<782x128xf32>
    %add3A_37 = arith.addf %mul3A_31, %mul3A_36 : vector<782x128xf32>
    %get3A_38 = arith.constant 2 : index
    %get3A_39 = arith.constant 0 : index
    %get3A_40 = memref.load %arg3[%get3A_38, %get3A_39] : memref<6x16xf32, #tpu.memory_space<smem>>
    %add3A_41 = vector.broadcast %get3A_40 : f32 to vector<782x128xf32>
    %add3A_42 = arith.addf %add3A_37, %add3A_41 : vector<782x128xf32>
    %max3A_43 = arith.constant 0.000000e+00 : f32
    %max3A_44 = vector.broadcast %max3A_43 : f32 to vector<782x128xf32>
    %max3A_45 = arith.maximumf %add3A_42, %max3A_44 : vector<782x128xf32>
    %get3A_46 = arith.constant 3 : index
    %get3A_47 = arith.constant 0 : index
    %get3A_48 = memref.load %arg3[%get3A_46, %get3A_47] : memref<6x16xf32, #tpu.memory_space<smem>>
    %mul3A_49 = vector.broadcast %get3A_48 : f32 to vector<782x128xf32>
    %mul3A_50 = arith.mulf %mul3A_49, %max3A_45 : vector<782x128xf32>
    %add3A_51 = arith.addf %broadcast_in_dim3A_25, %mul3A_50 : vector<782x128xf32>
    %get3A_52 = arith.constant 4 : index
    %get3A_53 = arith.constant 0 : index
    %get3A_54 = memref.load %arg3[%get3A_52, %get3A_53] : memref<6x16xf32, #tpu.memory_space<smem>>
    %mul3A_55 = vector.broadcast %get3A_54 : f32 to vector<782x128xf32>
    %mul3A_56 = arith.mulf %mul3A_55, %max3A_45 : vector<782x128xf32>
    %add3A_57 = arith.addf %broadcast_in_dim3A_27, %mul3A_56 : vector<782x128xf32>
    %get3A_58 = arith.constant 0 : index
    %get3A_59 = arith.constant 1 : index
    %get3A_60 = memref.load %arg3[%get3A_58, %get3A_59] : memref<6x16xf32, #tpu.memory_space<smem>>
    %mul3A_61 = vector.broadcast %get3A_60 : f32 to vector<782x128xf32>
    %mul3A_62 = arith.mulf %div3A, %mul3A_61 : vector<782x128xf32>
    %get3A_63 = arith.constant 1 : index
    %get3A_64 = arith.constant 1 : index
    %get3A_65 = memref.load %arg3[%get3A_63, %get3A_64] : memref<6x16xf32, #tpu.memory_space<smem>>
    %mul3A_66 = vector.broadcast %get3A_65 : f32 to vector<782x128xf32>
    %mul3A_67 = arith.mulf %get3A_24, %mul3A_66 : vector<782x128xf32>
    %add3A_68 = arith.addf %mul3A_62, %mul3A_67 : vector<782x128xf32>
    %get3A_69 = arith.constant 2 : index
    %get3A_70 = arith.constant 1 : index
    %get3A_71 = memref.load %arg3[%get3A_69, %get3A_70] : memref<6x16xf32, #tpu.memory_space<smem>>
    %add3A_72 = vector.broadcast %get3A_71 : f32 to vector<782x128xf32>
    %add3A_73 = arith.addf %add3A_68, %add3A_72 : vector<782x128xf32>
    %max3A_74 = arith.constant 0.000000e+00 : f32
    %max3A_75 = vector.broadcast %max3A_74 : f32 to vector<782x128xf32>
    %max3A_76 = arith.maximumf %add3A_73, %max3A_75 : vector<782x128xf32>
    %get3A_77 = arith.constant 3 : index
    %get3A_78 = arith.constant 1 : index
    %get3A_79 = memref.load %arg3[%get3A_77, %get3A_78] : memref<6x16xf32, #tpu.memory_space<smem>>
    %mul3A_80 = vector.broadcast %get3A_79 : f32 to vector<782x128xf32>
    %mul3A_81 = arith.mulf %mul3A_80, %max3A_76 : vector<782x128xf32>
    %add3A_82 = arith.addf %add3A_51, %mul3A_81 : vector<782x128xf32>
    %get3A_83 = arith.constant 4 : index
    %get3A_84 = arith.constant 1 : index
    %get3A_85 = memref.load %arg3[%get3A_83, %get3A_84] : memref<6x16xf32, #tpu.memory_space<smem>>
    %mul3A_86 = vector.broadcast %get3A_85 : f32 to vector<782x128xf32>
    %mul3A_87 = arith.mulf %mul3A_86, %max3A_76 : vector<782x128xf32>
    %add3A_88 = arith.addf %add3A_57, %mul3A_87 : vector<782x128xf32>
    %get3A_89 = arith.constant 0 : index
    %get3A_90 = arith.constant 2 : index
    %get3A_91 = memref.load %arg3[%get3A_89, %get3A_90] : memref<6x16xf32, #tpu.memory_space<smem>>
    %mul3A_92 = vector.broadcast %get3A_91 : f32 to vector<782x128xf32>
    %mul3A_93 = arith.mulf %div3A, %mul3A_92 : vector<782x128xf32>
    %get3A_94 = arith.constant 1 : index
    %get3A_95 = arith.constant 2 : index
    %get3A_96 = memref.load %arg3[%get3A_94, %get3A_95] : memref<6x16xf32, #tpu.memory_space<smem>>
    %mul3A_97 = vector.broadcast %get3A_96 : f32 to vector<782x128xf32>
    %mul3A_98 = arith.mulf %get3A_24, %mul3A_97 : vector<782x128xf32>
    %add3A_99 = arith.addf %mul3A_93, %mul3A_98 : vector<782x128xf32>
    %get3A_100 = arith.constant 2 : index
    %get3A_101 = arith.constant 2 : index
    %get3A_102 = memref.load %arg3[%get3A_100, %get3A_101] : memref<6x16xf32, #tpu.memory_space<smem>>
    %add3A_103 = vector.broadcast %get3A_102 : f32 to vector<782x128xf32>
    %add3A_104 = arith.addf %add3A_99, %add3A_103 : vector<782x128xf32>
    %max3A_105 = arith.constant 0.000000e+00 : f32
    %max3A_106 = vector.broadcast %max3A_105 : f32 to vector<782x128xf32>
    %max3A_107 = arith.maximumf %add3A_104, %max3A_106 : vector<782x128xf32>
    %get3A_108 = arith.constant 3 : index
    %get3A_109 = arith.constant 2 : index
    %get3A_110 = memref.load %arg3[%get3A_108, %get3A_109] : memref<6x16xf32, #tpu.memory_space<smem>>
    %mul3A_111 = vector.broadcast %get3A_110 : f32 to vector<782x128xf32>
    %mul3A_112 = arith.mulf %mul3A_111, %max3A_107 : vector<782x128xf32>
    %add3A_113 = arith.addf %add3A_82, %mul3A_112 : vector<782x128xf32>
    %get3A_114 = arith.constant 4 : index
    %get3A_115 = arith.constant 2 : index
    %get3A_116 = memref.load %arg3[%get3A_114, %get3A_115] : memref<6x16xf32, #tpu.memory_space<smem>>
    %mul3A_117 = vector.broadcast %get3A_116 : f32 to vector<782x128xf32>
    %mul3A_118 = arith.mulf %mul3A_117, %max3A_107 : vector<782x128xf32>
    %add3A_119 = arith.addf %add3A_88, %mul3A_118 : vector<782x128xf32>
    %get3A_120 = arith.constant 0 : index
    %get3A_121 = arith.constant 3 : index
    %get3A_122 = memref.load %arg3[%get3A_120, %get3A_121] : memref<6x16xf32, #tpu.memory_space<smem>>
    %mul3A_123 = vector.broadcast %get3A_122 : f32 to vector<782x128xf32>
    %mul3A_124 = arith.mulf %div3A, %mul3A_123 : vector<782x128xf32>
    %get3A_125 = arith.constant 1 : index
    %get3A_126 = arith.constant 3 : index
    %get3A_127 = memref.load %arg3[%get3A_125, %get3A_126] : memref<6x16xf32, #tpu.memory_space<smem>>
    %mul3A_128 = vector.broadcast %get3A_127 : f32 to vector<782x128xf32>
    %mul3A_129 = arith.mulf %get3A_24, %mul3A_128 : vector<782x128xf32>
    %add3A_130 = arith.addf %mul3A_124, %mul3A_129 : vector<782x128xf32>
    %get3A_131 = arith.constant 2 : index
    %get3A_132 = arith.constant 3 : index
    %get3A_133 = memref.load %arg3[%get3A_131, %get3A_132] : memref<6x16xf32, #tpu.memory_space<smem>>
    %add3A_134 = vector.broadcast %get3A_133 : f32 to vector<782x128xf32>
    %add3A_135 = arith.addf %add3A_130, %add3A_134 : vector<782x128xf32>
    %max3A_136 = arith.constant 0.000000e+00 : f32
    %max3A_137 = vector.broadcast %max3A_136 : f32 to vector<782x128xf32>
    %max3A_138 = arith.maximumf %add3A_135, %max3A_137 : vector<782x128xf32>
    %get3A_139 = arith.constant 3 : index
    %get3A_140 = arith.constant 3 : index
    %get3A_141 = memref.load %arg3[%get3A_139, %get3A_140] : memref<6x16xf32, #tpu.memory_space<smem>>
    %mul3A_142 = vector.broadcast %get3A_141 : f32 to vector<782x128xf32>
    %mul3A_143 = arith.mulf %mul3A_142, %max3A_138 : vector<782x128xf32>
    %add3A_144 = arith.addf %add3A_113, %mul3A_143 : vector<782x128xf32>
    %get3A_145 = arith.constant 4 : index
    %get3A_146 = arith.constant 3 : index
    %get3A_147 = memref.load %arg3[%get3A_145, %get3A_146] : memref<6x16xf32, #tpu.memory_space<smem>>
    %mul3A_148 = vector.broadcast %get3A_147 : f32 to vector<782x128xf32>
    %mul3A_149 = arith.mulf %mul3A_148, %max3A_138 : vector<782x128xf32>
    %add3A_150 = arith.addf %add3A_119, %mul3A_149 : vector<782x128xf32>
    %get3A_151 = arith.constant 0 : index
    %get3A_152 = arith.constant 4 : index
    %get3A_153 = memref.load %arg3[%get3A_151, %get3A_152] : memref<6x16xf32, #tpu.memory_space<smem>>
    %mul3A_154 = vector.broadcast %get3A_153 : f32 to vector<782x128xf32>
    %mul3A_155 = arith.mulf %div3A, %mul3A_154 : vector<782x128xf32>
    %get3A_156 = arith.constant 1 : index
    %get3A_157 = arith.constant 4 : index
    %get3A_158 = memref.load %arg3[%get3A_156, %get3A_157] : memref<6x16xf32, #tpu.memory_space<smem>>
    %mul3A_159 = vector.broadcast %get3A_158 : f32 to vector<782x128xf32>
    %mul3A_160 = arith.mulf %get3A_24, %mul3A_159 : vector<782x128xf32>
    %add3A_161 = arith.addf %mul3A_155, %mul3A_160 : vector<782x128xf32>
    %get3A_162 = arith.constant 2 : index
    %get3A_163 = arith.constant 4 : index
    %get3A_164 = memref.load %arg3[%get3A_162, %get3A_163] : memref<6x16xf32, #tpu.memory_space<smem>>
    %add3A_165 = vector.broadcast %get3A_164 : f32 to vector<782x128xf32>
    %add3A_166 = arith.addf %add3A_161, %add3A_165 : vector<782x128xf32>
    %max3A_167 = arith.constant 0.000000e+00 : f32
    %max3A_168 = vector.broadcast %max3A_167 : f32 to vector<782x128xf32>
    %max3A_169 = arith.maximumf %add3A_166, %max3A_168 : vector<782x128xf32>
    %get3A_170 = arith.constant 3 : index
    %get3A_171 = arith.constant 4 : index
    %get3A_172 = memref.load %arg3[%get3A_170, %get3A_171] : memref<6x16xf32, #tpu.memory_space<smem>>
    %mul3A_173 = vector.broadcast %get3A_172 : f32 to vector<782x128xf32>
    %mul3A_174 = arith.mulf %mul3A_173, %max3A_169 : vector<782x128xf32>
    %add3A_175 = arith.addf %add3A_144, %mul3A_174 : vector<782x128xf32>
    %get3A_176 = arith.constant 4 : index
    %get3A_177 = arith.constant 4 : index
    %get3A_178 = memref.load %arg3[%get3A_176, %get3A_177] : memref<6x16xf32, #tpu.memory_space<smem>>
    %mul3A_179 = vector.broadcast %get3A_178 : f32 to vector<782x128xf32>
    %mul3A_180 = arith.mulf %mul3A_179, %max3A_169 : vector<782x128xf32>
    %add3A_181 = arith.addf %add3A_150, %mul3A_180 : vector<782x128xf32>
    %get3A_182 = arith.constant 0 : index
    %get3A_183 = arith.constant 5 : index
    %get3A_184 = memref.load %arg3[%get3A_182, %get3A_183] : memref<6x16xf32, #tpu.memory_space<smem>>
    %mul3A_185 = vector.broadcast %get3A_184 : f32 to vector<782x128xf32>
    %mul3A_186 = arith.mulf %div3A, %mul3A_185 : vector<782x128xf32>
    %get3A_187 = arith.constant 1 : index
    %get3A_188 = arith.constant 5 : index
    %get3A_189 = memref.load %arg3[%get3A_187, %get3A_188] : memref<6x16xf32, #tpu.memory_space<smem>>
    %mul3A_190 = vector.broadcast %get3A_189 : f32 to vector<782x128xf32>
    %mul3A_191 = arith.mulf %get3A_24, %mul3A_190 : vector<782x128xf32>
    %add3A_192 = arith.addf %mul3A_186, %mul3A_191 : vector<782x128xf32>
    %get3A_193 = arith.constant 2 : index
    %get3A_194 = arith.constant 5 : index
    %get3A_195 = memref.load %arg3[%get3A_193, %get3A_194] : memref<6x16xf32, #tpu.memory_space<smem>>
    %add3A_196 = vector.broadcast %get3A_195 : f32 to vector<782x128xf32>
    %add3A_197 = arith.addf %add3A_192, %add3A_196 : vector<782x128xf32>
    %max3A_198 = arith.constant 0.000000e+00 : f32
    %max3A_199 = vector.broadcast %max3A_198 : f32 to vector<782x128xf32>
    %max3A_200 = arith.maximumf %add3A_197, %max3A_199 : vector<782x128xf32>
    %get3A_201 = arith.constant 3 : index
    %get3A_202 = arith.constant 5 : index
    %get3A_203 = memref.load %arg3[%get3A_201, %get3A_202] : memref<6x16xf32, #tpu.memory_space<smem>>
    %mul3A_204 = vector.broadcast %get3A_203 : f32 to vector<782x128xf32>
    %mul3A_205 = arith.mulf %mul3A_204, %max3A_200 : vector<782x128xf32>
    %add3A_206 = arith.addf %add3A_175, %mul3A_205 : vector<782x128xf32>
    %get3A_207 = arith.constant 4 : index
    %get3A_208 = arith.constant 5 : index
    %get3A_209 = memref.load %arg3[%get3A_207, %get3A_208] : memref<6x16xf32, #tpu.memory_space<smem>>
    %mul3A_210 = vector.broadcast %get3A_209 : f32 to vector<782x128xf32>
    %mul3A_211 = arith.mulf %mul3A_210, %max3A_200 : vector<782x128xf32>
    %add3A_212 = arith.addf %add3A_181, %mul3A_211 : vector<782x128xf32>
    %get3A_213 = arith.constant 0 : index
    %get3A_214 = arith.constant 6 : index
    %get3A_215 = memref.load %arg3[%get3A_213, %get3A_214] : memref<6x16xf32, #tpu.memory_space<smem>>
    %mul3A_216 = vector.broadcast %get3A_215 : f32 to vector<782x128xf32>
    %mul3A_217 = arith.mulf %div3A, %mul3A_216 : vector<782x128xf32>
    %get3A_218 = arith.constant 1 : index
    %get3A_219 = arith.constant 6 : index
    %get3A_220 = memref.load %arg3[%get3A_218, %get3A_219] : memref<6x16xf32, #tpu.memory_space<smem>>
    %mul3A_221 = vector.broadcast %get3A_220 : f32 to vector<782x128xf32>
    %mul3A_222 = arith.mulf %get3A_24, %mul3A_221 : vector<782x128xf32>
    %add3A_223 = arith.addf %mul3A_217, %mul3A_222 : vector<782x128xf32>
    %get3A_224 = arith.constant 2 : index
    %get3A_225 = arith.constant 6 : index
    %get3A_226 = memref.load %arg3[%get3A_224, %get3A_225] : memref<6x16xf32, #tpu.memory_space<smem>>
    %add3A_227 = vector.broadcast %get3A_226 : f32 to vector<782x128xf32>
    %add3A_228 = arith.addf %add3A_223, %add3A_227 : vector<782x128xf32>
    %max3A_229 = arith.constant 0.000000e+00 : f32
    %max3A_230 = vector.broadcast %max3A_229 : f32 to vector<782x128xf32>
    %max3A_231 = arith.maximumf %add3A_228, %max3A_230 : vector<782x128xf32>
    %get3A_232 = arith.constant 3 : index
    %get3A_233 = arith.constant 6 : index
    %get3A_234 = memref.load %arg3[%get3A_232, %get3A_233] : memref<6x16xf32, #tpu.memory_space<smem>>
    %mul3A_235 = vector.broadcast %get3A_234 : f32 to vector<782x128xf32>
    %mul3A_236 = arith.mulf %mul3A_235, %max3A_231 : vector<782x128xf32>
    %add3A_237 = arith.addf %add3A_206, %mul3A_236 : vector<782x128xf32>
    %get3A_238 = arith.constant 4 : index
    %get3A_239 = arith.constant 6 : index
    %get3A_240 = memref.load %arg3[%get3A_238, %get3A_239] : memref<6x16xf32, #tpu.memory_space<smem>>
    %mul3A_241 = vector.broadcast %get3A_240 : f32 to vector<782x128xf32>
    %mul3A_242 = arith.mulf %mul3A_241, %max3A_231 : vector<782x128xf32>
    %add3A_243 = arith.addf %add3A_212, %mul3A_242 : vector<782x128xf32>
    %get3A_244 = arith.constant 0 : index
    %get3A_245 = arith.constant 7 : index
    %get3A_246 = memref.load %arg3[%get3A_244, %get3A_245] : memref<6x16xf32, #tpu.memory_space<smem>>
    %mul3A_247 = vector.broadcast %get3A_246 : f32 to vector<782x128xf32>
    %mul3A_248 = arith.mulf %div3A, %mul3A_247 : vector<782x128xf32>
    %get3A_249 = arith.constant 1 : index
    %get3A_250 = arith.constant 7 : index
    %get3A_251 = memref.load %arg3[%get3A_249, %get3A_250] : memref<6x16xf32, #tpu.memory_space<smem>>
    %mul3A_252 = vector.broadcast %get3A_251 : f32 to vector<782x128xf32>
    %mul3A_253 = arith.mulf %get3A_24, %mul3A_252 : vector<782x128xf32>
    %add3A_254 = arith.addf %mul3A_248, %mul3A_253 : vector<782x128xf32>
    %get3A_255 = arith.constant 2 : index
    %get3A_256 = arith.constant 7 : index
    %get3A_257 = memref.load %arg3[%get3A_255, %get3A_256] : memref<6x16xf32, #tpu.memory_space<smem>>
    %add3A_258 = vector.broadcast %get3A_257 : f32 to vector<782x128xf32>
    %add3A_259 = arith.addf %add3A_254, %add3A_258 : vector<782x128xf32>
    %max3A_260 = arith.constant 0.000000e+00 : f32
    %max3A_261 = vector.broadcast %max3A_260 : f32 to vector<782x128xf32>
    %max3A_262 = arith.maximumf %add3A_259, %max3A_261 : vector<782x128xf32>
    %get3A_263 = arith.constant 3 : index
    %get3A_264 = arith.constant 7 : index
    %get3A_265 = memref.load %arg3[%get3A_263, %get3A_264] : memref<6x16xf32, #tpu.memory_space<smem>>
    %mul3A_266 = vector.broadcast %get3A_265 : f32 to vector<782x128xf32>
    %mul3A_267 = arith.mulf %mul3A_266, %max3A_262 : vector<782x128xf32>
    %add3A_268 = arith.addf %add3A_237, %mul3A_267 : vector<782x128xf32>
    %get3A_269 = arith.constant 4 : index
    %get3A_270 = arith.constant 7 : index
    %get3A_271 = memref.load %arg3[%get3A_269, %get3A_270] : memref<6x16xf32, #tpu.memory_space<smem>>
    %mul3A_272 = vector.broadcast %get3A_271 : f32 to vector<782x128xf32>
    %mul3A_273 = arith.mulf %mul3A_272, %max3A_262 : vector<782x128xf32>
    %add3A_274 = arith.addf %add3A_243, %mul3A_273 : vector<782x128xf32>
    %get3A_275 = arith.constant 0 : index
    %get3A_276 = arith.constant 8 : index
    %get3A_277 = memref.load %arg3[%get3A_275, %get3A_276] : memref<6x16xf32, #tpu.memory_space<smem>>
    %mul3A_278 = vector.broadcast %get3A_277 : f32 to vector<782x128xf32>
    %mul3A_279 = arith.mulf %div3A, %mul3A_278 : vector<782x128xf32>
    %get3A_280 = arith.constant 1 : index
    %get3A_281 = arith.constant 8 : index
    %get3A_282 = memref.load %arg3[%get3A_280, %get3A_281] : memref<6x16xf32, #tpu.memory_space<smem>>
    %mul3A_283 = vector.broadcast %get3A_282 : f32 to vector<782x128xf32>
    %mul3A_284 = arith.mulf %get3A_24, %mul3A_283 : vector<782x128xf32>
    %add3A_285 = arith.addf %mul3A_279, %mul3A_284 : vector<782x128xf32>
    %get3A_286 = arith.constant 2 : index
    %get3A_287 = arith.constant 8 : index
    %get3A_288 = memref.load %arg3[%get3A_286, %get3A_287] : memref<6x16xf32, #tpu.memory_space<smem>>
    %add3A_289 = vector.broadcast %get3A_288 : f32 to vector<782x128xf32>
    %add3A_290 = arith.addf %add3A_285, %add3A_289 : vector<782x128xf32>
    %max3A_291 = arith.constant 0.000000e+00 : f32
    %max3A_292 = vector.broadcast %max3A_291 : f32 to vector<782x128xf32>
    %max3A_293 = arith.maximumf %add3A_290, %max3A_292 : vector<782x128xf32>
    %get3A_294 = arith.constant 3 : index
    %get3A_295 = arith.constant 8 : index
    %get3A_296 = memref.load %arg3[%get3A_294, %get3A_295] : memref<6x16xf32, #tpu.memory_space<smem>>
    %mul3A_297 = vector.broadcast %get3A_296 : f32 to vector<782x128xf32>
    %mul3A_298 = arith.mulf %mul3A_297, %max3A_293 : vector<782x128xf32>
    %add3A_299 = arith.addf %add3A_268, %mul3A_298 : vector<782x128xf32>
    %get3A_300 = arith.constant 4 : index
    %get3A_301 = arith.constant 8 : index
    %get3A_302 = memref.load %arg3[%get3A_300, %get3A_301] : memref<6x16xf32, #tpu.memory_space<smem>>
    %mul3A_303 = vector.broadcast %get3A_302 : f32 to vector<782x128xf32>
    %mul3A_304 = arith.mulf %mul3A_303, %max3A_293 : vector<782x128xf32>
    %add3A_305 = arith.addf %add3A_274, %mul3A_304 : vector<782x128xf32>
    %get3A_306 = arith.constant 0 : index
    %get3A_307 = arith.constant 9 : index
    %get3A_308 = memref.load %arg3[%get3A_306, %get3A_307] : memref<6x16xf32, #tpu.memory_space<smem>>
    %mul3A_309 = vector.broadcast %get3A_308 : f32 to vector<782x128xf32>
    %mul3A_310 = arith.mulf %div3A, %mul3A_309 : vector<782x128xf32>
    %get3A_311 = arith.constant 1 : index
    %get3A_312 = arith.constant 9 : index
    %get3A_313 = memref.load %arg3[%get3A_311, %get3A_312] : memref<6x16xf32, #tpu.memory_space<smem>>
    %mul3A_314 = vector.broadcast %get3A_313 : f32 to vector<782x128xf32>
    %mul3A_315 = arith.mulf %get3A_24, %mul3A_314 : vector<782x128xf32>
    %add3A_316 = arith.addf %mul3A_310, %mul3A_315 : vector<782x128xf32>
    %get3A_317 = arith.constant 2 : index
    %get3A_318 = arith.constant 9 : index
    %get3A_319 = memref.load %arg3[%get3A_317, %get3A_318] : memref<6x16xf32, #tpu.memory_space<smem>>
    %add3A_320 = vector.broadcast %get3A_319 : f32 to vector<782x128xf32>
    %add3A_321 = arith.addf %add3A_316, %add3A_320 : vector<782x128xf32>
    %max3A_322 = arith.constant 0.000000e+00 : f32
    %max3A_323 = vector.broadcast %max3A_322 : f32 to vector<782x128xf32>
    %max3A_324 = arith.maximumf %add3A_321, %max3A_323 : vector<782x128xf32>
    %get3A_325 = arith.constant 3 : index
    %get3A_326 = arith.constant 9 : index
    %get3A_327 = memref.load %arg3[%get3A_325, %get3A_326] : memref<6x16xf32, #tpu.memory_space<smem>>
    %mul3A_328 = vector.broadcast %get3A_327 : f32 to vector<782x128xf32>
    %mul3A_329 = arith.mulf %mul3A_328, %max3A_324 : vector<782x128xf32>
    %add3A_330 = arith.addf %add3A_299, %mul3A_329 : vector<782x128xf32>
    %get3A_331 = arith.constant 4 : index
    %get3A_332 = arith.constant 9 : index
    %get3A_333 = memref.load %arg3[%get3A_331, %get3A_332] : memref<6x16xf32, #tpu.memory_space<smem>>
    %mul3A_334 = vector.broadcast %get3A_333 : f32 to vector<782x128xf32>
    %mul3A_335 = arith.mulf %mul3A_334, %max3A_324 : vector<782x128xf32>
    %add3A_336 = arith.addf %add3A_305, %mul3A_335 : vector<782x128xf32>
    %get3A_337 = arith.constant 0 : index
    %get3A_338 = arith.constant 10 : index
    %get3A_339 = memref.load %arg3[%get3A_337, %get3A_338] : memref<6x16xf32, #tpu.memory_space<smem>>
    %mul3A_340 = vector.broadcast %get3A_339 : f32 to vector<782x128xf32>
    %mul3A_341 = arith.mulf %div3A, %mul3A_340 : vector<782x128xf32>
    %get3A_342 = arith.constant 1 : index
    %get3A_343 = arith.constant 10 : index
    %get3A_344 = memref.load %arg3[%get3A_342, %get3A_343] : memref<6x16xf32, #tpu.memory_space<smem>>
    %mul3A_345 = vector.broadcast %get3A_344 : f32 to vector<782x128xf32>
    %mul3A_346 = arith.mulf %get3A_24, %mul3A_345 : vector<782x128xf32>
    %add3A_347 = arith.addf %mul3A_341, %mul3A_346 : vector<782x128xf32>
    %get3A_348 = arith.constant 2 : index
    %get3A_349 = arith.constant 10 : index
    %get3A_350 = memref.load %arg3[%get3A_348, %get3A_349] : memref<6x16xf32, #tpu.memory_space<smem>>
    %add3A_351 = vector.broadcast %get3A_350 : f32 to vector<782x128xf32>
    %add3A_352 = arith.addf %add3A_347, %add3A_351 : vector<782x128xf32>
    %max3A_353 = arith.constant 0.000000e+00 : f32
    %max3A_354 = vector.broadcast %max3A_353 : f32 to vector<782x128xf32>
    %max3A_355 = arith.maximumf %add3A_352, %max3A_354 : vector<782x128xf32>
    %get3A_356 = arith.constant 3 : index
    %get3A_357 = arith.constant 10 : index
    %get3A_358 = memref.load %arg3[%get3A_356, %get3A_357] : memref<6x16xf32, #tpu.memory_space<smem>>
    %mul3A_359 = vector.broadcast %get3A_358 : f32 to vector<782x128xf32>
    %mul3A_360 = arith.mulf %mul3A_359, %max3A_355 : vector<782x128xf32>
    %add3A_361 = arith.addf %add3A_330, %mul3A_360 : vector<782x128xf32>
    %get3A_362 = arith.constant 4 : index
    %get3A_363 = arith.constant 10 : index
    %get3A_364 = memref.load %arg3[%get3A_362, %get3A_363] : memref<6x16xf32, #tpu.memory_space<smem>>
    %mul3A_365 = vector.broadcast %get3A_364 : f32 to vector<782x128xf32>
    %mul3A_366 = arith.mulf %mul3A_365, %max3A_355 : vector<782x128xf32>
    %add3A_367 = arith.addf %add3A_336, %mul3A_366 : vector<782x128xf32>
    %get3A_368 = arith.constant 0 : index
    %get3A_369 = arith.constant 11 : index
    %get3A_370 = memref.load %arg3[%get3A_368, %get3A_369] : memref<6x16xf32, #tpu.memory_space<smem>>
    %mul3A_371 = vector.broadcast %get3A_370 : f32 to vector<782x128xf32>
    %mul3A_372 = arith.mulf %div3A, %mul3A_371 : vector<782x128xf32>
    %get3A_373 = arith.constant 1 : index
    %get3A_374 = arith.constant 11 : index
    %get3A_375 = memref.load %arg3[%get3A_373, %get3A_374] : memref<6x16xf32, #tpu.memory_space<smem>>
    %mul3A_376 = vector.broadcast %get3A_375 : f32 to vector<782x128xf32>
    %mul3A_377 = arith.mulf %get3A_24, %mul3A_376 : vector<782x128xf32>
    %add3A_378 = arith.addf %mul3A_372, %mul3A_377 : vector<782x128xf32>
    %get3A_379 = arith.constant 2 : index
    %get3A_380 = arith.constant 11 : index
    %get3A_381 = memref.load %arg3[%get3A_379, %get3A_380] : memref<6x16xf32, #tpu.memory_space<smem>>
    %add3A_382 = vector.broadcast %get3A_381 : f32 to vector<782x128xf32>
    %add3A_383 = arith.addf %add3A_378, %add3A_382 : vector<782x128xf32>
    %max3A_384 = arith.constant 0.000000e+00 : f32
    %max3A_385 = vector.broadcast %max3A_384 : f32 to vector<782x128xf32>
    %max3A_386 = arith.maximumf %add3A_383, %max3A_385 : vector<782x128xf32>
    %get3A_387 = arith.constant 3 : index
    %get3A_388 = arith.constant 11 : index
    %get3A_389 = memref.load %arg3[%get3A_387, %get3A_388] : memref<6x16xf32, #tpu.memory_space<smem>>
    %mul3A_390 = vector.broadcast %get3A_389 : f32 to vector<782x128xf32>
    %mul3A_391 = arith.mulf %mul3A_390, %max3A_386 : vector<782x128xf32>
    %add3A_392 = arith.addf %add3A_361, %mul3A_391 : vector<782x128xf32>
    %get3A_393 = arith.constant 4 : index
    %get3A_394 = arith.constant 11 : index
    %get3A_395 = memref.load %arg3[%get3A_393, %get3A_394] : memref<6x16xf32, #tpu.memory_space<smem>>
    %mul3A_396 = vector.broadcast %get3A_395 : f32 to vector<782x128xf32>
    %mul3A_397 = arith.mulf %mul3A_396, %max3A_386 : vector<782x128xf32>
    %add3A_398 = arith.addf %add3A_367, %mul3A_397 : vector<782x128xf32>
    %get3A_399 = arith.constant 0 : index
    %get3A_400 = arith.constant 12 : index
    %get3A_401 = memref.load %arg3[%get3A_399, %get3A_400] : memref<6x16xf32, #tpu.memory_space<smem>>
    %mul3A_402 = vector.broadcast %get3A_401 : f32 to vector<782x128xf32>
    %mul3A_403 = arith.mulf %div3A, %mul3A_402 : vector<782x128xf32>
    %get3A_404 = arith.constant 1 : index
    %get3A_405 = arith.constant 12 : index
    %get3A_406 = memref.load %arg3[%get3A_404, %get3A_405] : memref<6x16xf32, #tpu.memory_space<smem>>
    %mul3A_407 = vector.broadcast %get3A_406 : f32 to vector<782x128xf32>
    %mul3A_408 = arith.mulf %get3A_24, %mul3A_407 : vector<782x128xf32>
    %add3A_409 = arith.addf %mul3A_403, %mul3A_408 : vector<782x128xf32>
    %get3A_410 = arith.constant 2 : index
    %get3A_411 = arith.constant 12 : index
    %get3A_412 = memref.load %arg3[%get3A_410, %get3A_411] : memref<6x16xf32, #tpu.memory_space<smem>>
    %add3A_413 = vector.broadcast %get3A_412 : f32 to vector<782x128xf32>
    %add3A_414 = arith.addf %add3A_409, %add3A_413 : vector<782x128xf32>
    %max3A_415 = arith.constant 0.000000e+00 : f32
    %max3A_416 = vector.broadcast %max3A_415 : f32 to vector<782x128xf32>
    %max3A_417 = arith.maximumf %add3A_414, %max3A_416 : vector<782x128xf32>
    %get3A_418 = arith.constant 3 : index
    %get3A_419 = arith.constant 12 : index
    %get3A_420 = memref.load %arg3[%get3A_418, %get3A_419] : memref<6x16xf32, #tpu.memory_space<smem>>
    %mul3A_421 = vector.broadcast %get3A_420 : f32 to vector<782x128xf32>
    %mul3A_422 = arith.mulf %mul3A_421, %max3A_417 : vector<782x128xf32>
    %add3A_423 = arith.addf %add3A_392, %mul3A_422 : vector<782x128xf32>
    %get3A_424 = arith.constant 4 : index
    %get3A_425 = arith.constant 12 : index
    %get3A_426 = memref.load %arg3[%get3A_424, %get3A_425] : memref<6x16xf32, #tpu.memory_space<smem>>
    %mul3A_427 = vector.broadcast %get3A_426 : f32 to vector<782x128xf32>
    %mul3A_428 = arith.mulf %mul3A_427, %max3A_417 : vector<782x128xf32>
    %add3A_429 = arith.addf %add3A_398, %mul3A_428 : vector<782x128xf32>
    %get3A_430 = arith.constant 0 : index
    %get3A_431 = arith.constant 13 : index
    %get3A_432 = memref.load %arg3[%get3A_430, %get3A_431] : memref<6x16xf32, #tpu.memory_space<smem>>
    %mul3A_433 = vector.broadcast %get3A_432 : f32 to vector<782x128xf32>
    %mul3A_434 = arith.mulf %div3A, %mul3A_433 : vector<782x128xf32>
    %get3A_435 = arith.constant 1 : index
    %get3A_436 = arith.constant 13 : index
    %get3A_437 = memref.load %arg3[%get3A_435, %get3A_436] : memref<6x16xf32, #tpu.memory_space<smem>>
    %mul3A_438 = vector.broadcast %get3A_437 : f32 to vector<782x128xf32>
    %mul3A_439 = arith.mulf %get3A_24, %mul3A_438 : vector<782x128xf32>
    %add3A_440 = arith.addf %mul3A_434, %mul3A_439 : vector<782x128xf32>
    %get3A_441 = arith.constant 2 : index
    %get3A_442 = arith.constant 13 : index
    %get3A_443 = memref.load %arg3[%get3A_441, %get3A_442] : memref<6x16xf32, #tpu.memory_space<smem>>
    %add3A_444 = vector.broadcast %get3A_443 : f32 to vector<782x128xf32>
    %add3A_445 = arith.addf %add3A_440, %add3A_444 : vector<782x128xf32>
    %max3A_446 = arith.constant 0.000000e+00 : f32
    %max3A_447 = vector.broadcast %max3A_446 : f32 to vector<782x128xf32>
    %max3A_448 = arith.maximumf %add3A_445, %max3A_447 : vector<782x128xf32>
    %get3A_449 = arith.constant 3 : index
    %get3A_450 = arith.constant 13 : index
    %get3A_451 = memref.load %arg3[%get3A_449, %get3A_450] : memref<6x16xf32, #tpu.memory_space<smem>>
    %mul3A_452 = vector.broadcast %get3A_451 : f32 to vector<782x128xf32>
    %mul3A_453 = arith.mulf %mul3A_452, %max3A_448 : vector<782x128xf32>
    %add3A_454 = arith.addf %add3A_423, %mul3A_453 : vector<782x128xf32>
    %get3A_455 = arith.constant 4 : index
    %get3A_456 = arith.constant 13 : index
    %get3A_457 = memref.load %arg3[%get3A_455, %get3A_456] : memref<6x16xf32, #tpu.memory_space<smem>>
    %mul3A_458 = vector.broadcast %get3A_457 : f32 to vector<782x128xf32>
    %mul3A_459 = arith.mulf %mul3A_458, %max3A_448 : vector<782x128xf32>
    %add3A_460 = arith.addf %add3A_429, %mul3A_459 : vector<782x128xf32>
    %get3A_461 = arith.constant 0 : index
    %get3A_462 = arith.constant 14 : index
    %get3A_463 = memref.load %arg3[%get3A_461, %get3A_462] : memref<6x16xf32, #tpu.memory_space<smem>>
    %mul3A_464 = vector.broadcast %get3A_463 : f32 to vector<782x128xf32>
    %mul3A_465 = arith.mulf %div3A, %mul3A_464 : vector<782x128xf32>
    %get3A_466 = arith.constant 1 : index
    %get3A_467 = arith.constant 14 : index
    %get3A_468 = memref.load %arg3[%get3A_466, %get3A_467] : memref<6x16xf32, #tpu.memory_space<smem>>
    %mul3A_469 = vector.broadcast %get3A_468 : f32 to vector<782x128xf32>
    %mul3A_470 = arith.mulf %get3A_24, %mul3A_469 : vector<782x128xf32>
    %add3A_471 = arith.addf %mul3A_465, %mul3A_470 : vector<782x128xf32>
    %get3A_472 = arith.constant 2 : index
    %get3A_473 = arith.constant 14 : index
    %get3A_474 = memref.load %arg3[%get3A_472, %get3A_473] : memref<6x16xf32, #tpu.memory_space<smem>>
    %add3A_475 = vector.broadcast %get3A_474 : f32 to vector<782x128xf32>
    %add3A_476 = arith.addf %add3A_471, %add3A_475 : vector<782x128xf32>
    %max3A_477 = arith.constant 0.000000e+00 : f32
    %max3A_478 = vector.broadcast %max3A_477 : f32 to vector<782x128xf32>
    %max3A_479 = arith.maximumf %add3A_476, %max3A_478 : vector<782x128xf32>
    %get3A_480 = arith.constant 3 : index
    %get3A_481 = arith.constant 14 : index
    %get3A_482 = memref.load %arg3[%get3A_480, %get3A_481] : memref<6x16xf32, #tpu.memory_space<smem>>
    %mul3A_483 = vector.broadcast %get3A_482 : f32 to vector<782x128xf32>
    %mul3A_484 = arith.mulf %mul3A_483, %max3A_479 : vector<782x128xf32>
    %add3A_485 = arith.addf %add3A_454, %mul3A_484 : vector<782x128xf32>
    %get3A_486 = arith.constant 4 : index
    %get3A_487 = arith.constant 14 : index
    %get3A_488 = memref.load %arg3[%get3A_486, %get3A_487] : memref<6x16xf32, #tpu.memory_space<smem>>
    %mul3A_489 = vector.broadcast %get3A_488 : f32 to vector<782x128xf32>
    %mul3A_490 = arith.mulf %mul3A_489, %max3A_479 : vector<782x128xf32>
    %add3A_491 = arith.addf %add3A_460, %mul3A_490 : vector<782x128xf32>
    %get3A_492 = arith.constant 0 : index
    %get3A_493 = arith.constant 15 : index
    %get3A_494 = memref.load %arg3[%get3A_492, %get3A_493] : memref<6x16xf32, #tpu.memory_space<smem>>
    %mul3A_495 = vector.broadcast %get3A_494 : f32 to vector<782x128xf32>
    %mul3A_496 = arith.mulf %div3A, %mul3A_495 : vector<782x128xf32>
    %get3A_497 = arith.constant 1 : index
    %get3A_498 = arith.constant 15 : index
    %get3A_499 = memref.load %arg3[%get3A_497, %get3A_498] : memref<6x16xf32, #tpu.memory_space<smem>>
    %mul3A_500 = vector.broadcast %get3A_499 : f32 to vector<782x128xf32>
    %mul3A_501 = arith.mulf %get3A_24, %mul3A_500 : vector<782x128xf32>
    %add3A_502 = arith.addf %mul3A_496, %mul3A_501 : vector<782x128xf32>
    %get3A_503 = arith.constant 2 : index
    %get3A_504 = arith.constant 15 : index
    %get3A_505 = memref.load %arg3[%get3A_503, %get3A_504] : memref<6x16xf32, #tpu.memory_space<smem>>
    %add3A_506 = vector.broadcast %get3A_505 : f32 to vector<782x128xf32>
    %add3A_507 = arith.addf %add3A_502, %add3A_506 : vector<782x128xf32>
    %max3A_508 = arith.constant 0.000000e+00 : f32
    %max3A_509 = vector.broadcast %max3A_508 : f32 to vector<782x128xf32>
    %max3A_510 = arith.maximumf %add3A_507, %max3A_509 : vector<782x128xf32>
    %get3A_511 = arith.constant 3 : index
    %get3A_512 = arith.constant 15 : index
    %get3A_513 = memref.load %arg3[%get3A_511, %get3A_512] : memref<6x16xf32, #tpu.memory_space<smem>>
    %mul3A_514 = vector.broadcast %get3A_513 : f32 to vector<782x128xf32>
    %mul3A_515 = arith.mulf %mul3A_514, %max3A_510 : vector<782x128xf32>
    %add3A_516 = arith.addf %add3A_485, %mul3A_515 : vector<782x128xf32>
    %get3A_517 = arith.constant 4 : index
    %get3A_518 = arith.constant 15 : index
    %get3A_519 = memref.load %arg3[%get3A_517, %get3A_518] : memref<6x16xf32, #tpu.memory_space<smem>>
    %mul3A_520 = vector.broadcast %get3A_519 : f32 to vector<782x128xf32>
    %mul3A_521 = arith.mulf %mul3A_520, %max3A_510 : vector<782x128xf32>
    %add3A_522 = arith.addf %add3A_491, %mul3A_521 : vector<782x128xf32>
    %swap3A = arith.constant 0 : index
    %swap3A_523 = arith.constant 0 : index
    %swap3A_524 = vector.load %arg4[%swap3A, %swap3A_523] : memref<782x128xf32, #tpu.memory_space<vmem>>, vector<782x128xf32>
    tpu.vector_store %arg4[%swap3A, %swap3A_523], %add3A_516 {strides = array<i32>} : memref<782x128xf32, #tpu.memory_space<vmem>>, vector<782x128xf32>,
    %get3A_525 = arith.constant 5 : index
    %get3A_526 = arith.constant 0 : index
    %get3A_527 = memref.load %arg3[%get3A_525, %get3A_526] : memref<6x16xf32, #tpu.memory_space<smem>>
    %add3A_528 = vector.broadcast %get3A_527 : f32 to vector<782x128xf32>
    %add3A_529 = arith.addf %add3A_522, %add3A_528 : vector<782x128xf32>
    %swap3A_530 = arith.constant 0 : index
    %swap3A_531 = arith.constant 0 : index
    %swap3A_532 = vector.load %arg5[%swap3A_530, %swap3A_531] : memref<782x128xf32, #tpu.memory_space<vmem>>, vector<782x128xf32>
    tpu.vector_store %arg5[%swap3A_530, %swap3A_531], %add3A_529 {strides = array<i32>} : memref<782x128xf32, #tpu.memory_space<vmem>>, vector<782x128xf32>,
    %swap3A_533 = arith.constant 0 : index
    %swap3A_534 = arith.constant 0 : index
    %swap3A_535 = vector.load %arg6[%swap3A_533, %swap3A_534] : memref<782x128xf32, #tpu.memory_space<vmem>>, vector<782x128xf32>
    tpu.vector_store %arg6[%swap3A_533, %swap3A_534], %max3A_21 {strides = array<i32>} : memref<782x128xf32, #tpu.memory_space<vmem>>, vector<782x128xf32>,
    return
  }
}

module attributes {stable_mosaic.version = 14 : i64} {
  func.func @sage_tc_final(%arg0: memref<2x782x128xf32, #tpu.memory_space<vmem>>, %arg1: memref<782x128xf32, #tpu.memory_space<vmem>>, %arg2: memref<782x128xf32, #tpu.memory_space<vmem>>, %arg3: memref<782x128xf32, #tpu.memory_space<vmem>>) attributes {dimension_semantics = [], scalar_prefetch = 0 : i64, scratch_operands = 0 : i64, tpu.core_type = #tpu.core_type<tc>} {
    %get3A = arith.constant 0 : index
    %get3A_0 = arith.constant 0 : index
    %get3A_1 = arith.constant 0 : index
    %get3A_2 = vector.load %arg0[%get3A, %get3A_0, %get3A_1] : memref<2x782x128xf32, #tpu.memory_space<vmem>>, vector<1x782x128xf32>
    %get3A_3 = vector.shape_cast %get3A_2 : vector<1x782x128xf32> to vector<782x128xf32>
    %get3A_4 = arith.constant 1 : index
    %get3A_5 = arith.constant 0 : index
    %get3A_6 = arith.constant 0 : index
    %get3A_7 = vector.load %arg0[%get3A_4, %get3A_5, %get3A_6] : memref<2x782x128xf32, #tpu.memory_space<vmem>>, vector<1x782x128xf32>
    %get3A_8 = vector.shape_cast %get3A_7 : vector<1x782x128xf32> to vector<782x128xf32>
    %add3A = arith.addf %get3A_3, %get3A_8 : vector<782x128xf32>
    %get3A_9 = arith.constant 0 : index
    %get3A_10 = arith.constant 0 : index
    %get3A_11 = vector.load %arg1[%get3A_9, %get3A_10] : memref<782x128xf32, #tpu.memory_space<vmem>>, vector<782x128xf32>
    %div3A = arith.divf %add3A, %get3A_11 : vector<782x128xf32>
    %get3A_12 = arith.constant 0 : index
    %get3A_13 = arith.constant 0 : index
    %get3A_14 = vector.load %arg2[%get3A_12, %get3A_13] : memref<782x128xf32, #tpu.memory_space<vmem>>, vector<782x128xf32>
    %add3A_15 = arith.addf %div3A, %get3A_14 : vector<782x128xf32>
    %swap3A = arith.constant 0 : index
    %swap3A_16 = arith.constant 0 : index
    %swap3A_17 = vector.load %arg3[%swap3A, %swap3A_16] : memref<782x128xf32, #tpu.memory_space<vmem>>, vector<782x128xf32>
    tpu.vector_store %arg3[%swap3A, %swap3A_16], %add3A_15 {strides = array<i32>} : memref<782x128xf32, #tpu.memory_space<vmem>>, vector<782x128xf32>,
    return
  }
}

</mosaic_0001>

<sc_bundles>
// kernel: sage_sc_pass1.3.cloned.1.call-start
scs
__scs_entry_jumppad:
0x0: {  	(pc) =	sbr.rel $0x88, $3  }
0x1: {  	(tag) =	ssettag $0x0;
	lr =	simm.s32 $0x1  }
0x2: {  	[smem:$0x3F99] =	sst lr;
	_ =	strace $0xD0000000  }
0x3: {  	_ = 	snop  }
0x4: {  	_ = 	snop  }
0x5: {  	_ = 	snop  }
0x6: {  	_ = 	snop  }
0x7: {  	_ = 	snop  }
__scs_overlays_trampoline_lowered:
0x8: {  	[smem:$0x3FA8] =	sst s0  }
0x9: {  	[smem:$0x3FA9] =	sst s1  }
0xa: {  	[smem:$0x3FAA] =	sst s2  }
0xb: {  	[smem:$0x3FAB] =	sst s3  }
0xc: {  	[smem:$0x3FAC] =	sst s4  }
0xd: {  	[smem:$0x3FAD] =	sst s5  }
0xe: {  	[smem:$0x3FAE] =	sst s6  }
0xf: {  	[smem:$0x3FAF] =	sst s7  }
0x10: {  	[smem:$0x3FB0] =	sst s8  }
0x11: {  	[smem:$0x3FB1] =	sst s9;
	s0 =	simm.s32 @!p0 $0x0  }
0x12: {  	s1 =	sld [smem:$0x3F97];
	s0 =	simm.s32 @p0 $0x1  }
0x13: {  	[smem:$0x3FB2] =	sst s0;
	s0 =	simm.s32 @!p1 $0x0  }
0x14: {  	s2 =	sld [smem:$0x3F96];
	s0 =	simm.s32 @p1 $0x1  }
0x15: {  	[smem:$0x3FB3] =	sst s0;
	s0 =	simm.s32 @!p2 $0x0  }
0x16: {  	s3 =	sld [smem:$0x3FDB];
	s0 =	simm.s32 @p2 $0x1  }
0x17: {  	s4 =	simm.s32 $0x1BF5;
	[smem:$0x3FB5] =	sst s0  }
0x18: {  	s0 =	sld [smem:$0x3F98];
	_ =	swait.ge [sflag:s4], $0x0  }
0x19: {  	s7 =	sld [smem:$0x3F99]  }
0x1a: {  	s8 =	sadd.s32 $0xFFFFE003, lr  }
0x1b: {  	s9 =	sadd.s32 $0xFFFFFEF7, lr;
	s5 =	simm.s32 $0xFFFFFFFF;
	p2 =	slt.u32 s8, $0xFFFFF086  }
0x1c: {  	p1 =	slt.u32 s9, $0xF7A;
	s5 =	simm.s32 @!p2 $0x0  }
0x1d: {  	s5 =	simm.s32 @p1 $0x1;
	p0 =	seq.s32 s7, s2  }
0x1e: {  	s7 =	smul.u32 @!p0 $0xF7A, s2;
	p2 =	seq.s32 @!p0 s5, $0x0  }
0x1f: {  	s9 =	smul.u32 $0xF7A, s1;
	s8 =	simm.s32 @!p0 $0x1BF5;
	p2 =	por !p2, p0  }
0x20: {  	[sflag:s8] =	ssyncset.s32 @!p0 $0xFFFFF086;
	s6 =	sadd.s32 @!p0 s3, s7;
	s7 =	simm.s32 @!p0 $0x108  }
0x21: {  	s3 =	sadd.s32 s3, s9;
	s6 =	sadd.s32 @!p0 $0x88, s6;
	s7 =	simm.s32 @p2 $0x1082  }
0x22: {  	[simem:s7], [sflag:s8] =	dma.local @!p0 [hbm:s6], $0xF7A  }
0x23: {  	s9 =	sor.u32 $0xD0000000, s2;
	s6 =	simm.s32 $0x108;
	_ =	swait.ge @!p0 [sflag:s8], $0x0  }
0x24: {  	s3 =	sadd.s32 $0x88, s3;
	s6 =	simm.s32 @!p1 $0x1082;
	[sflag:s4] =	ssyncset.s32 $0xFFFFF086  }
0x25: {  	[simem:s6], [sflag:s4] =	dma.local [hbm:s3], $0xF7A  }
0x26: {  	[smem:$0x3F99] =	sst s1;
	(tag) =	ssettag s2;
	_ =	strace s9  }
0x27: {  	s1 =	sld [smem:$0x3FA9]  }
0x28: {  	s2 =	sld [smem:$0x3FAA]  }
0x29: {  	s4 =	sld [smem:$0x3FAC]  }
0x2a: {  	p0 =	seq.s32 s5, $0x0;
	s5 =	sld [smem:$0x3FAD]  }
0x2b: {  	s6 =	sld [smem:$0x3FAE]  }
0x2c: {  	s7 =	sld [smem:$0x3FAF]  }
0x2d: {  	s3 =	simm.s32 $0x108;
	s8 =	sld [smem:$0x3FB0]  }
0x2e: {  	s3 =	simm.s32 @!p0 $0x1082;
	s9 =	sld [smem:$0x3FB1]  }
0x2f: {  	lr =	sadd.s32 s0, s3;
	s0 =	sld [smem:$0x3FA8]  }
0x30: {  	s3 =	sld [smem:$0x3FAB]  }
0x31: {  	[smem:$0x3FB4] =	sst s10  }
0x32: {  	s10 =	sld [smem:$0x3FB2];
	_ =	sdelay $0x3  }
0x33: {  	p0 =	seq.s32 s10, $0x1;
	s10 =	sld [smem:$0x3FB4];
	_ =	sdelay $0x3  }
0x34: {  	[smem:$0x3FB4] =	sst s10  }
0x35: {  	s10 =	sld [smem:$0x3FB3];
	_ =	sdelay $0x3  }
0x36: {  	p1 =	seq.s32 s10, $0x1;
	s10 =	sld [smem:$0x3FB4];
	_ =	sdelay $0x3  }
0x37: {  	[smem:$0x3FB4] =	sst s10  }
0x38: {  	s10 =	sld [smem:$0x3FB5]  }
0x39: {  	_ = 	snop;
	(pc) =	sbr.ind lr, $3  }
0x3a: {  	_ = 	snop  }
0x3b: {  	_ = 	snop  }
0x3c: {  	p2 =	seq.s32 s10, $0x1;
	s10 =	sld [smem:$0x3FB4]  }
0x3d: {  	_ =	shalt  }
0x3e: {  	_ =	shalt  }
0x3f: {  	_ =	shalt  }
0x40: {  	_ =	shalt  }
0x41: {  	_ =	shalt  }
0x42: {  	_ =	shalt  }
0x43: {  	_ =	shalt  }
0x44: {  	_ =	shalt  }
0x45: {  	_ =	shalt  }
0x46: {  	_ =	shalt  }
0x47: {  	_ =	shalt  }
0x48: {  	_ =	shalt  }
0x49: {  	_ =	shalt  }
0x4a: {  	_ =	shalt  }
0x4b: {  	_ =	shalt  }
0x4c: {  	_ =	shalt  }
0x4d: {  	_ =	shalt  }
0x4e: {  	_ =	shalt  }
0x4f: {  	_ =	shalt  }
0x50: {  	_ =	shalt  }
0x51: {  	_ =	shalt  }
0x52: {  	_ =	shalt  }
0x53: {  	_ =	shalt  }
0x54: {  	_ =	shalt  }
0x55: {  	_ =	shalt  }
0x56: {  	_ =	shalt  }
0x57: {  	_ =	shalt  }
0x58: {  	_ =	shalt  }
0x59: {  	_ =	shalt  }
0x5a: {  	_ =	shalt  }
0x5b: {  	_ =	shalt  }
0x5c: {  	_ =	shalt  }
0x5d: {  	_ =	shalt  }
0x5e: {  	_ =	shalt  }
0x5f: {  	_ =	shalt  }
0x60: {  	_ =	shalt  }
0x61: {  	_ =	shalt  }
0x62: {  	_ =	shalt  }
0x63: {  	_ =	shalt  }
0x64: {  	_ =	shalt  }
0x65: {  	_ =	shalt  }
0x66: {  	_ =	shalt  }
0x67: {  	_ =	shalt  }
0x68: {  	_ =	shalt  }
0x69: {  	_ =	shalt  }
0x6a: {  	_ =	shalt  }
0x6b: {  	_ =	shalt  }
0x6c: {  	_ =	shalt  }
0x6d: {  	_ =	shalt  }
0x6e: {  	_ =	shalt  }
0x6f: {  	_ =	shalt  }
0x70: {  	_ =	shalt  }
0x71: {  	_ =	shalt  }
0x72: {  	_ =	shalt  }
0x73: {  	_ =	shalt  }
0x74: {  	_ =	shalt  }
0x75: {  	_ =	shalt  }
0x76: {  	_ =	shalt  }
0x77: {  	_ =	shalt  }
0x78: {  	_ =	shalt  }
0x79: {  	_ =	shalt  }
0x7a: {  	_ =	shalt  }
0x7b: {  	_ =	shalt  }
0x7c: {  	_ =	shalt  }
0x7d: {  	_ =	shalt  }
0x7e: {  	_ =	shalt  }
0x7f: {  	_ =	shalt  }
0x80: {  	_ =	shalt  }
0x81: {  	_ =	shalt  }
0x82: {  	_ =	shalt  }
0x83: {  	_ =	shalt  }
0x84: {  	_ =	shalt  }
0x85: {  	_ =	shalt  }
0x86: {  	_ =	shalt  }
0x87: {  	_ =	shalt  }
.Lfunc_end0:
.L_simem_size_0:
called_computation_lowered:
.L_overlay_start_0:
0x88: {  	s2 =	sld [smem:$0x3FD9]  }
0x89: {  	s3 =	sld [smem:$0x3FFE];
	_ =	sdelay $0x1  }
0x8a: {  	s1 =	srdreg.scid  }
0x8b: {  	s0 =	sand.u32 $0x1, s1  }
0x8c: {  	s17 =	sshll.u32 s0, $0xA;
	s2 =	sadd.s32 s3, s2  }
0x8d: {  	s2 =	sadd.s32 s2, s17  }
0x8e: {  	[smem:$0x3FC0] =	sst s2  }
0x8f: {  	_ = 	snop  }
0x90: {  	s2 =	sld [smem:$0x3FD0];
	(tm) =	ssettm $0x1  }
0x91: {  	s18 =	sld [smem:$0x3FFB];
	_ =	sdelay $0x3  }
0x92: {  	_ =	strace s18  }
0x93: {  	s3 =	sld [smem:$0x3FFC];
	_ =	sdelay $0x3  }
0x94: {  	_ =	strace s3  }
0x95: {  	s3 =	sld [smem:$0x3FFD];
	_ =	sdelay $0x3  }
0x96: {  	_ =	strace s3  }
0x97: {  	_ =	strace $0x8FFFFFFF  }
0x98: {  	s19 =	sld [smem:$0x3FDB];
	_ =	sdelay $0x1  }
0x99: {  	s4 =	simm.s32 $_scs_section_size  }
0x9a: {  	s5 =	simm.s32 $_size__tile_overlayer_lowered;
	s6 =	simm.s32 $_tile_overlayer_lowered  }
0x9b: {  	s22 =	simm.s32 $0x1BFF;
	s21 =	sshll.u32 s6, $0x1;
	s3 =	sadd.s32 s4, s19  }
0x9c: {  	s7 =	simm.s32 $0x0;
	s20 =	sshll.u32 s5, $0x1;
	s5 =	sadd.s32 s21, s3  }
0x9d: {  	[timem:s7], [sflag:s22] =	dma.local [hbm:s5], s20  }
0x9e: {  	_ =	swait.ge [sflag:s22], s20  }
0x9f: {  	s4 =	ssub.s32 $0x0, s20;
	[sflag:s22] =	ssyncset.done $0x0  }
0xa0: {  	[sflag:s22] =	ssyncadd.s32 s4;
	_ =	sdelay $0x1  }
0xa1: {  	s23 =	simm.s32 $0x1B8B  }
0xa2: {  	_ =	swait.ge [sflag:s23], $0x1  }
0xa3: {  	[sflag:s23] =	ssyncset.done $0x0  }
0xa4: {  	s25 =	simm.s32 $0x1B8E;
	s24 =	sld [smem:$0x3FFE];
	[sflag:s23] =	ssyncadd.s32 $0xFFFFFFFF  }
0xa5: {  	s26 =	simm.s32 $execute0_lowered;
	[smem:$0x3FD2] =	sst s25  }
0xa6: {  	s5 =	sshll.u32 s26, $0x1;
	_ =	strace $0x80000046;
	[dreg:$0x1] =	wrdreg $0xFFFFFFFF  }
0xa7: {  	s28 =	simm.s32 $_size_execute0_lowered;
	s3 =	sadd.s32 s3, s5;
	[dreg:$0x0] =	wrdreg $0x0  }
0xa8: {  	s5 =	sshll.u32 s28, $0x1;
	[dreg:$0x2] =	wrdreg s3  }
0xa9: {  	[dreg:$0x3] =	wrdreg s5  }
0xaa: {  	[dreg:$0x4] =	wrdreg $0xC0  }
0xab: {  	_ =	task [dreg:s7], $0x5FFFF  }
0xac: {  	[dreg:$0x1] =	wrdreg $0xFFFFFFFF  }
0xad: {  	[dreg:$0x0] =	wrdreg $0x60  }
0xae: {  	[dreg:$0x2] =	wrdreg s24  }
0xaf: {  	[dreg:$0x3] =	wrdreg s2  }
0xb0: {  	[dreg:$0x4] =	wrdreg $0x18700  }
0xb1: {  	[dreg:$0x5] =	wrdreg $0x30E00  }
0xb2: {  	[dreg:$0x6] =	wrdreg $0x0  }
0xb3: {  	[dreg:$0x7] =	wrdreg $0x9  }
0xb4: {  	_ =	task.clear_ibuf [dreg:s7], $0x8FFFF;
	_ =	strace $0x90000046  }
0xb5: {  	s29 =	simm.s32 $0x9;
	_ =	strace $0x80000048  }
0xb6: {  	_ =	swait.ge [sflag:s29], $0x1  }
0xb7: {  	[sflag:s29] =	ssyncadd.s32 $0xFFFFFFFF  }
0xb8: {  	_ =	strace $0x90000048  }
0xb9: {  	_ =	sfence  }
0xba: {  	s30 =	sld [smem:$0x0];
	_ =	sdelay $0x2  }
0xbb: {  	s31 =	sshll.u32 s1, $0xD;
	s1 =	sshrl.u32 s1, $0x2  }
0xbc: {  	s3 =	sand.u32 $0x4000, s31;
	s1 =	sadd.s32 s1, s30  }
0xbd: {  	s0 =	sor.u32 s3, s0;
	s1 =	sshll.u32 s1, $0x11  }
0xbe: {  	s0 =	sor.u32 s1, s0  }
0xbf: {  	s0 =	sadd.s32 $0x8F2B, s0  }
0xc0: {  	[sflag:s0] =	ssyncadd.remote.s32 $0x1  }
0xc1: {  	_ =	sfence.sel $0xFFFF  }
0xc2: {  	[dreg:$0x0] =	wrdreg $0xFFFFFFFF;
	(pc) =	sbr.abs _section_cstart, $3  }
0xc3: {  	[dreg:$0x1] =	wrdreg $0xFFFFFFFF  }
0xc4: {  	_ =	task.clear_ibuf [dreg:s7], $0x2FFFF;
	_ =	strace $0x9FFFFFFF  }
0xc5: {  	(tm) =	ssettm $0x7FFFFFFF  }
tec
execute0_lowered:
.L_overlay_start_1:
0x0: {  	(tag) =	ssettag $0x1  }
0x1: {  	s0 =	rddreg [dreg:$0x0]  }
0x2: {  	s2 =	rddreg [dreg:$0x2]  }
0x3: {  	s3 =	rddreg [dreg:$0x3]  }
0x4: {  	s5 =	rddreg [dreg:$0x4]  }
0x5: {  	s6 =	simm.s32 $0x0;
	s13 =	stileid.u32;
	s4 =	srdreg.scid  }
0x6: {  	s21 =	simm.s32 $0xF1D0;
	s22 =	simm.s32 $0x4;
	s23 =	simm.s32 $0xF150  }
0x7: {  	s28 =	simm.s32 $0x80;
	s29 =	simm.s32 $0x9D50;
	s30 =	simm.s32 $0xB950  }
0x8: {  	s31 =	simm.s32 $0x2;
	[smem:$0x7FF] =	sst s6;
	s1 =	smul.u32 $0x1870, s13  }
0x9: {  	s4 =	sand.u32 $0x1, s4;
	s7 =	sadd.s32 $0x5000, s0;
	s8 =	sadd.s32 $0x67000, s0  }
0xa: {  	s11 =	sadd.s32 $0xC9400, s0;
	_ =	strace $0x80000047;
	s10 =	smul.u32 $0x18700, s4  }
0xb: {  	[dreg:$0x6] =	wrdreg s11;
	s24 =	ssub.s32 $0x2, s4;
	s4 =	sshll.u32 s4, $0x4  }
0xc: {  	s9 =	sshrl.u32 s1, $0x3;
	s12 =	sshrl.u32 s24, $0x1;
	s4 =	sor.u32 s13, s4  }
0xd: {  	s11 =	sadd.s32 s1, s3;
	s9 =	sadd.s32 s9, s0;
	s13 =	smul.u32 $0x3100, s4  }
0xe: {  	s10 =	sadd.s32 s1, s10;
	s12 =	ssub.s32 s24, s12;
	s4 =	smul.u32 $0x310, s4  }
0xf: {  	s24 =	simm.s32 $0x4950;
	s10 =	sshrl.u32 s10, $0x3;
	s9 =	sadd.s32 $0x1E00, s9  }
0x10: {  	s20 =	smax.u32 s12, $0x1;
	s0 =	sadd.s32 s10, s0;
	s10 =	sadd.s32 s1, s2  }
0x11: {  	[dreg:$0x7] =	wrdreg s9;
	s1 =	sadd.s32 s1, s5;
	s25 =	sadd.s32 s7, s13  }
0x12: {  	s26 =	sadd.s32 s8, s13;
	s16 =	sadd.s32 $0x38, s4;
	[dreg:$0x8] =	wrdreg s1  }
0x13: {  	s17 =	sadd.s32 $0x70, s4;
	s4 =	simm.s32 $0x0;
	[dreg:$0x9] =	wrdreg s25  }
0x14: {  	[dreg:$0xa] =	wrdreg s26;
	s18 =	sadd.s32 $0xC9600, s0;
	s19 =	sadd.s32 $0xCF800, s0  }
0x15: {  	s25 =	simm.s32 $0x6550;
	s26 =	simm.s32 $0x1;
	s0 =	simm.s32 $0x3  }
.LBB2_1:
0x16: {  	s1 =	rddreg [dreg:$0x1]  }
0x17: {  	[tilespmem:s21], [sflag:$0x4] =	stream.linear.gather [hbm4b:s1+s6], $0x1880, $0x38;
	[tilespmem:$0x10A50] =	vst v63  }
0x18: {  	_ =	swait.ge [sflag:s22], $0x1880  }
0x19: {  	[sflag:s22] =	ssyncset.done $0x0  }
0x1a: {  	[sflag:s22] =	ssyncadd.s32 $0xFFFFE780  }
0x1b: {  	[spmem:s10] =	stream.linear.scatter [tilespmem:s21], [sflag:$0x4], $0x1870, $0x38;
	[tilespmem:$0x10A50] =	vst v63  }
0x1c: {  	_ =	swait.ge [sflag:s22], $0x1870  }
0x1d: {  	[sflag:s22] =	ssyncset.done $0x0  }
0x1e: {  	[sflag:s22] =	ssyncadd.s32 $0xFFFFE790  }
0x1f: {  	[spmem:s11] =	stream.linear.scatter [tilespmem:s21], [sflag:$0x4], $0x1870, $0x38;
	[tilespmem:$0x10A50] =	vst v63  }
0x20: {  	_ =	swait.ge [sflag:s22], $0x1870  }
0x21: {  	[sflag:s22] =	ssyncset.done $0x0  }
0x22: {  	s9 =	rddreg [dreg:$0x6];
	[sflag:s22] =	ssyncadd.s32 $0xFFFFE790  }
0x23: {  	[tilespmem:s23], [sflag:$0x4] =	stream.linear.gather [hbm4b:s9+s6], $0x80, $0x38;
	[tilespmem:$0x10A50] =	vst v63  }
0x24: {  	_ =	swait.ge [sflag:s22], $0x80  }
0x25: {  	[sflag:s22] =	ssyncset.done $0x0  }
0x26: {  	s12 =	rddreg [dreg:$0x7];
	[sflag:s22] =	ssyncadd.s32 $0xFFFFFF80  }
0x27: {  	[tilespmem:s21], [sflag:$0x4] =	stream.linear.gather [hbm4b:s12+s6], $0x1870, $0x38;
	[tilespmem:$0x10A50] =	vst v63  }
0x28: {  	_ =	swait.ge [sflag:s22], $0x1870  }
0x29: {  	[sflag:s22] =	ssyncset.done $0x0  }
0x2a: {  	s13 =	rddreg [dreg:$0x8];
	[sflag:s22] =	ssyncadd.s32 $0xFFFFE790  }
0x2b: {  	[spmem:s13] =	stream.linear.scatter [tilespmem:s21], [sflag:$0x4], $0x1870, $0x38;
	[tilespmem:$0x10A50] =	vst v63  }
0x2c: {  	_ =	swait.ge [sflag:s22], $0x1870  }
0x2d: {  	[sflag:s22] =	ssyncset.done $0x0  }
0x2e: {  	[sflag:s22] =	ssyncadd.s32 $0xFFFFE790  }
0x2f: {  	[bflag:$0x0] =	sbarrier.arrive $0xFFFF  }
0x30: {  	s14 =	rddreg [dreg:$0x9]  }
0x31: {  	[tilespmem:s24], [sflag:$0x1] =	stream.linear.gather [hbm4b:s14+s6], $0x1C00, $0x38;
	[tilespmem:$0x10A50] =	vst v63  }
0x32: {  	s15 =	rddreg [dreg:$0xa]  }
0x33: {  	[tilespmem:s25], [sflag:$0x1] =	stream.linear.gather [hbm4b:s15+s6], $0x1C00, $0x38;
	[tilespmem:$0x10A50] =	vst v63  }
0x34: {  	_ =	swait.ge [sflag:s26], $0x1C00  }
0x35: {  	[sflag:s26] =	ssyncset.done $0x0  }
0x36: {  	[sflag:s26] =	ssyncadd.s32 $0xFFFFE400  }
0x37: {  	_ =	swait.ge [sflag:s26], $0x1C00  }
0x38: {  	s9 =	simm.s32 $0x200;
	[sflag:s26] =	ssyncset.done $0x0  }
0x39: {  	s12 =	simm.s32 $0x8150;
	s13 =	simm.s32 $0x4950;
	[sflag:s26] =	ssyncadd.s32 $0xFFFFE400  }
.LBB2_2:
0x3a: {  	[tilespmem:s12], [sflag:$0x2] =	stream.indirect.gather [spmem:s5], $0x1, s13, s28, $0xb8;
	[tilespmem:$0x10A50] =	vst v63  }
0x3b: {  	s1 =	smov.u32 s9;
	p0 =	sne.s32 s9, $0x6E00  }
.Ltmp0:
0x3c: {  	s9 =	sadd.s32 $0x200, s9;
	(pc) =	sbr.rel @p0 .LBB2_2-.Ltmp0, $3  }
0x3d: {  	_ =	sdelay $0x1  }
0x3e: {  	s1 =	sshra.s32 s1, $0x2  }
0x3f: {  	s12 =	sadd.s32 $0x8150, s1;
	s13 =	sadd.s32 $0x4950, s1;
	s1 =	simm.s32 $0x0  }
0x40: {  	[tilespmem:s12], [sflag:$0x2] =	stream.indirect.gather [spmem:s5], $0x1, s13, s28, $0xb8;
	[tilespmem:$0x10A50] =	vst v63  }
0x41: {  	s9 =	simm.s32 $0x0  }
.LBB2_4:
0x42: {  	p0 =	seq.s32 s9, $0x0  }
0x43: {  	s12 =	simm.s32 @!p0 $0x3  }
0x44: {  	_ =	swait.ge @!p0 [sflag:s12], $0x1C00  }
0x45: {  	s13 =	smul.u32 $0x70, s9;
	[sflag:s12] =	ssyncset.done @!p0 $0x0  }
0x46: {  	[sflag:s12] =	ssyncadd.s32 @!p0 $0xFFFFE400  }
0x47: {  	s13 =	sadd.s32 s13, s16;
	_ =	swait.ge @!p0 [sflag:s12], $0x1C00  }
0x48: {  	s13 =	sshll.u32 s13, $0x4;
	[sflag:s12] =	ssyncset.done @!p0 $0x0  }
0x49: {  	s14 =	sadd.s32 s7, s13;
	[sflag:s12] =	ssyncadd.s32 @!p0 $0xFFFFE400  }
0x4a: {  	[tilespmem:s29], [sflag:$0x1] =	stream.linear.gather [hbm4b:s14+s1], $0x1C00, $0x38;
	[tilespmem:$0x10A50] =	vst v63  }
0x4b: {  	s15 =	sadd.s32 s8, s13  }
0x4c: {  	[tilespmem:s30], [sflag:$0x1] =	stream.linear.gather [hbm4b:s15+s1], $0x1C00, $0x38;
	[tilespmem:$0x10A50] =	vst v63  }
0x4d: {  	_ =	swait.ge [sflag:s31], $0x1C00  }
0x4e: {  	[sflag:s31] =	ssyncset.done $0x0  }
0x4f: {  	s13 =	simm.s32 $0x0;
	s12 =	sshll.u32 s9, $0x1;
	[sflag:s31] =	ssyncadd.s32 $0xFFFFE400  }
.LBB2_5:
0x50: {  	p0 =	sne.s32 s13, $0x6E00  }
.Ltmp1:
0x51: {  	_ = 	snop;
	(pc) =	sbr.rel @p0 .LBB2_5-.Ltmp1, $4  }
0x52: {  	_ = 	snop  }
0x53: {  	s14 =	sshra.s32 s13, $0x2  }
0x54: {  	s13 =	sadd.s32 $0x200, s13;
	s14 =	sadd.s32 $0x6550, s14  }
0x55: {  	[spmem:s3] =	stream.indirect.scatter.add.f32 [tilespmem:s23], [sflag:$0x3], $0x1, s14, s28, $0xb8;
	[tilespmem:$0x10A50] =	vst v63  }
0x56: {  	s13 =	simm.s32 $0x200;
	s14 =	simm.s32 $0x8150;
	s15 =	simm.s32 $0x6550  }
.LBB2_7:
0x57: {  	[spmem:s2] =	stream.indirect.scatter.add.f32 [tilespmem:s14], [sflag:$0x3], $0x1, s15, s28, $0xb8;
	[tilespmem:$0x10A50] =	vst v63  }
0x58: {  	s14 =	smov.u32 s13;
	p0 =	sne.s32 s13, $0x6E00  }
.Ltmp2:
0x59: {  	s13 =	sadd.s32 $0x200, s13;
	(pc) =	sbr.rel @p0 .LBB2_7-.Ltmp2, $3  }
0x5a: {  	_ =	sdelay $0x1  }
0x5b: {  	s15 =	sshra.s32 s14, $0x2  }
0x5c: {  	s14 =	sadd.s32 $0x8150, s15;
	s15 =	sadd.s32 $0x6550, s15  }
0x5d: {  	[spmem:s2] =	stream.indirect.scatter.add.f32 [tilespmem:s14], [sflag:$0x3], $0x1, s15, s28, $0xb8;
	[tilespmem:$0x10A50] =	vst v63  }
0x5e: {  	_ =	swait.ge [sflag:s26], $0x1C00  }
0x5f: {  	[sflag:s26] =	ssyncset.done $0x0  }
0x60: {  	[sflag:s26] =	ssyncadd.s32 $0xFFFFE400  }
0x61: {  	_ =	swait.ge [sflag:s26], $0x1C00  }
0x62: {  	s13 =	simm.s32 $0x200;
	[sflag:s26] =	ssyncset.done $0x0  }
0x63: {  	s14 =	simm.s32 $0xD550;
	s15 =	simm.s32 $0x9D50;
	[sflag:s26] =	ssyncadd.s32 $0xFFFFE400  }
.LBB2_9:
0x64: {  	[tilespmem:s14], [sflag:$0x2] =	stream.indirect.gather [spmem:s5], $0x1, s15, s28, $0xb8;
	[tilespmem:$0x10A50] =	vst v63  }
0x65: {  	s14 =	smov.u32 s13;
	p0 =	sne.s32 s13, $0x6E00  }
.Ltmp3:
0x66: {  	s13 =	sadd.s32 $0x200, s13;
	(pc) =	sbr.rel @p0 .LBB2_9-.Ltmp3, $3  }
0x67: {  	_ =	sdelay $0x1  }
0x68: {  	s15 =	sshra.s32 s14, $0x2  }
0x69: {  	s14 =	sadd.s32 $0xD550, s15;
	s15 =	sadd.s32 $0x9D50, s15  }
0x6a: {  	[tilespmem:s14], [sflag:$0x2] =	stream.indirect.gather [spmem:s5], $0x1, s15, s28, $0xb8;
	[tilespmem:$0x10A50] =	vst v63  }
0x6b: {  	s12 =	smin.u32 s12, $0xB;
	_ =	swait.ge [sflag:s0], $0x1C00  }
0x6c: {  	s12 =	smul.u32 $0x38, s12;
	[sflag:s0] =	ssyncset.done $0x0  }
0x6d: {  	[sflag:s0] =	ssyncadd.s32 $0xFFFFE400  }
0x6e: {  	s12 =	sadd.s32 s12, s17;
	_ =	swait.ge [sflag:s0], $0x1C00  }
0x6f: {  	s12 =	sshll.u32 s12, $0x4;
	[sflag:s0] =	ssyncset.done $0x0  }
0x70: {  	s15 =	simm.s32 $0x0;
	s13 =	sadd.s32 s7, s12;
	[sflag:s0] =	ssyncadd.s32 $0xFFFFE400  }
0x71: {  	[tilespmem:s24], [sflag:$0x1] =	stream.linear.gather [hbm4b:s13+s15], $0x1C00, $0x38;
	[tilespmem:$0x10A50] =	vst v63  }
0x72: {  	s12 =	sadd.s32 s8, s12  }
0x73: {  	[tilespmem:s25], [sflag:$0x1] =	stream.linear.gather [hbm4b:s12+s15], $0x1C00, $0x38;
	[tilespmem:$0x10A50] =	vst v63  }
0x74: {  	_ =	swait.ge [sflag:s31], $0x1C00  }
0x75: {  	[sflag:s31] =	ssyncset.done $0x0  }
0x76: {  	s13 =	simm.s32 $0xB950;
	s12 =	simm.s32 $0x200;
	[sflag:s31] =	ssyncadd.s32 $0xFFFFE400  }
.LBB2_11:
0x77: {  	[spmem:s3] =	stream.indirect.scatter.add.f32 [tilespmem:s23], [sflag:$0x3], $0x1, s13, s28, $0xb8;
	[tilespmem:$0x10A50] =	vst v63  }
0x78: {  	s13 =	smov.u32 s12;
	p0 =	sne.s32 s12, $0x6E00  }
.Ltmp4:
0x79: {  	s12 =	sadd.s32 $0x200, s12;
	(pc) =	sbr.rel @p0 .LBB2_11-.Ltmp4, $3  }
0x7a: {  	_ =	sdelay $0x1  }
0x7b: {  	s13 =	sshra.s32 s13, $0x2  }
0x7c: {  	s13 =	sadd.s32 $0xB950, s13  }
0x7d: {  	[spmem:s3] =	stream.indirect.scatter.add.f32 [tilespmem:s23], [sflag:$0x3], $0x1, s13, s28, $0xb8;
	[tilespmem:$0x10A50] =	vst v63  }
0x7e: {  	s12 =	simm.s32 $0x200;
	s13 =	simm.s32 $0xD550;
	s14 =	simm.s32 $0xB950  }
.LBB2_13:
0x7f: {  	[spmem:s2] =	stream.indirect.scatter.add.f32 [tilespmem:s13], [sflag:$0x3], $0x1, s14, s28, $0xb8;
	[tilespmem:$0x10A50] =	vst v63  }
0x80: {  	s13 =	smov.u32 s12;
	p0 =	sne.s32 s12, $0x6E00  }
.Ltmp5:
0x81: {  	s12 =	sadd.s32 $0x200, s12;
	(pc) =	sbr.rel @p0 .LBB2_13-.Ltmp5, $3  }
0x82: {  	_ =	sdelay $0x1  }
0x83: {  	s14 =	sshra.s32 s13, $0x2  }
0x84: {  	s13 =	sadd.s32 $0xD550, s14;
	s14 =	sadd.s32 $0xB950, s14  }
0x85: {  	[spmem:s2] =	stream.indirect.scatter.add.f32 [tilespmem:s13], [sflag:$0x3], $0x1, s14, s28, $0xb8;
	[tilespmem:$0x10A50] =	vst v63  }
0x86: {  	_ =	swait.ge [sflag:s26], $0x1C00  }
0x87: {  	[sflag:s26] =	ssyncset.done $0x0  }
0x88: {  	[sflag:s26] =	ssyncadd.s32 $0xFFFFE400  }
0x89: {  	_ =	swait.ge [sflag:s26], $0x1C00  }
0x8a: {  	s12 =	simm.s32 $0x200;
	[sflag:s26] =	ssyncset.done $0x0  }
0x8b: {  	s13 =	simm.s32 $0x8150;
	s14 =	simm.s32 $0x4950;
	[sflag:s26] =	ssyncadd.s32 $0xFFFFE400  }
.LBB2_15:
0x8c: {  	[tilespmem:s13], [sflag:$0x2] =	stream.indirect.gather [spmem:s5], $0x1, s14, s28, $0xb8;
	[tilespmem:$0x10A50] =	vst v63  }
0x8d: {  	s13 =	smov.u32 s12;
	p0 =	sne.s32 s12, $0x6E00  }
.Ltmp6:
0x8e: {  	s12 =	sadd.s32 $0x200, s12;
	(pc) =	sbr.rel @p0 .LBB2_15-.Ltmp6, $3  }
0x8f: {  	_ =	sdelay $0x1  }
0x90: {  	s14 =	sshra.s32 s13, $0x2  }
0x91: {  	s13 =	sadd.s32 $0x8150, s14;
	s14 =	sadd.s32 $0x4950, s14  }
0x92: {  	s9 =	sadd.s32 $0x1, s9  }
0x93: {  	p0 =	sne.s32 s9, $0x7  }
.Ltmp7:
0x94: {  	_ = 	snop;
	(pc) =	sbr.rel @p0 .LBB2_4-.Ltmp7, $2  }
0x95: {  	_ =	sdelay $0x2  }
0x96: {  	[tilespmem:s13], [sflag:$0x2] =	stream.indirect.gather [spmem:s5], $0x1, s14, s28, $0xb8;
	[tilespmem:$0x10A50] =	vst v63  }
0x97: {  	_ =	swait.ge [sflag:s0], $0x1C00  }
0x98: {  	[sflag:s0] =	ssyncset.done $0x0  }
0x99: {  	[sflag:s0] =	ssyncadd.s32 $0xFFFFE400  }
0x9a: {  	_ =	swait.ge [sflag:s0], $0x1C00  }
0x9b: {  	[sflag:s0] =	ssyncset.done $0x0  }
0x9c: {  	[sflag:s0] =	ssyncadd.s32 $0xFFFFE400  }
0x9d: {  	_ =	swait.ge [sflag:s31], $0x1C00  }
0x9e: {  	[sflag:s31] =	ssyncset.done $0x0  }
0x9f: {  	[sflag:s31] =	ssyncadd.s32 $0xFFFFE400  }
0xa0: {  	[bflag:$0x0] =	sbarrier.arrive $0xFFFF  }
0xa1: {  	[tilespmem:s21], [sflag:$0x4] =	stream.linear.gather [spmem:s10], $0x1870, $0x38;
	[tilespmem:$0x10A50] =	vst v63  }
0xa2: {  	_ =	swait.ge [sflag:s22], $0x1870  }
0xa3: {  	[sflag:s22] =	ssyncset.done $0x0  }
0xa4: {  	[sflag:s22] =	ssyncadd.s32 $0xFFFFE790  }
0xa5: {  	[hbm4b:s18+s6] =	stream.linear.scatter [tilespmem:s21], [sflag:$0x4], $0x1870, $0x38;
	[tilespmem:$0x10A50] =	vst v63  }
0xa6: {  	_ =	swait.ge [sflag:s22], $0x1870  }
0xa7: {  	[sflag:s22] =	ssyncset.done $0x0  }
0xa8: {  	[sflag:s22] =	ssyncadd.s32 $0xFFFFE790  }
0xa9: {  	[tilespmem:s21], [sflag:$0x4] =	stream.linear.gather [spmem:s11], $0x1870, $0x38;
	[tilespmem:$0x10A50] =	vst v63  }
0xaa: {  	s4 =	sadd.s32 $0x1, s4;
	_ =	swait.ge [sflag:s22], $0x1870  }
0xab: {  	p0 =	sne.s32 s4, s20;
	[sflag:s22] =	ssyncset.done $0x0  }
.Ltmp8:
0xac: {  	[sflag:s22] =	ssyncadd.s32 $0xFFFFE790;
	(pc) =	sbr.rel @p0 .LBB2_1-.Ltmp8, $4  }
0xad: {  	[hbm4b:s19+s6] =	stream.linear.scatter [tilespmem:s21], [sflag:$0x4], $0x1870, $0x38;
	[tilespmem:$0x10A50] =	vst v63  }
0xae: {  	_ =	swait.ge [sflag:s22], $0x1870  }
0xaf: {  	[sflag:s22] =	ssyncset.done $0x0  }
0xb0: {  	[sflag:s22] =	ssyncadd.s32 $0xFFFFE790  }
0xb1: {  	_ =	sfence.sel $0x180000  }
0xb2: {  	[bflag:$0x0] =	sbarrier.arrive $0xFFFF  }
0xb3: {  	_ =	strace $0x90000047  }
0xb4: {  	s0 =	stileid.u32;
	[bflag:$0x2] =	sbarrier.arrive $0xFFFF  }
0xb5: {  	p0 =	sne.s32 s0, $0x0;
	s0 =	rddreg [dreg:$0x5]  }
0xb6: {  	s0 =	sadd.s32 @!p0 $0x100000, s0  }
0xb7: {  	[sflag:s0] =	ssyncadd.tile.s32 @!p0 $0x1;
	_ =	shalt  }
.Lfunc_end2:
_tile_overlayer_lowered:
.L_overlay_start_2:
0xb8: {  	(tag) =	ssettag $0x2  }
0xb9: {  	s0 =	rddreg [dreg:$0x0];
	s2 =	stileid.u32  }
0xba: {  	s1 =	rddreg [dreg:$0x1];
	p0 =	sne.s32 s2, $0x0  }
0xbb: {  	s3 =	rddreg [dreg:$0x2];
	[bflag:$0x3] =	sbarrier.arrive $0xFFFF;
	s2 =	simm.s32 @!p0 $0x1C04  }
0xbc: {  	[timem:s3], [sflag:s2] =	dma.local @!p0 [hbm:s0], s1  }
0xbd: {  	s0 =	simm.s32 @!p0 $0x4  }
0xbe: {  	_ =	swait.ge @!p0 [sflag:s0], s1  }
0xbf: {  	s1 =	ssub.s32 @!p0 $0x0, s1;
	[sflag:s0] =	ssyncset.done @!p0 $0x0  }
0xc0: {  	[sflag:s0] =	ssyncadd.s32 @!p0 s1  }
0xc1: {  	[bflag:$0x3] =	sbarrier.arrive $0xFFFF  }
0xc2: {  	_ =	shalt  }

// kernel: sage_sc_pass2.3.cloned.1.call-start
scs
__scs_entry_jumppad:
0x0: {  	(pc) =	sbr.rel $0x88, $3  }
0x1: {  	(tag) =	ssettag $0x0;
	lr =	simm.s32 $0x1  }
0x2: {  	[smem:$0x3F99] =	sst lr;
	_ =	strace $0xD0000000  }
0x3: {  	_ = 	snop  }
0x4: {  	_ = 	snop  }
0x5: {  	_ = 	snop  }
0x6: {  	_ = 	snop  }
0x7: {  	_ = 	snop  }
__scs_overlays_trampoline_lowered:
0x8: {  	[smem:$0x3FA8] =	sst s0  }
0x9: {  	[smem:$0x3FA9] =	sst s1  }
0xa: {  	[smem:$0x3FAA] =	sst s2  }
0xb: {  	[smem:$0x3FAB] =	sst s3  }
0xc: {  	[smem:$0x3FAC] =	sst s4  }
0xd: {  	[smem:$0x3FAD] =	sst s5  }
0xe: {  	[smem:$0x3FAE] =	sst s6  }
0xf: {  	[smem:$0x3FAF] =	sst s7  }
0x10: {  	[smem:$0x3FB0] =	sst s8  }
0x11: {  	[smem:$0x3FB1] =	sst s9;
	s0 =	simm.s32 @!p0 $0x0  }
0x12: {  	s1 =	sld [smem:$0x3F97];
	s0 =	simm.s32 @p0 $0x1  }
0x13: {  	[smem:$0x3FB2] =	sst s0;
	s0 =	simm.s32 @!p1 $0x0  }
0x14: {  	s2 =	sld [smem:$0x3F96];
	s0 =	simm.s32 @p1 $0x1  }
0x15: {  	[smem:$0x3FB3] =	sst s0;
	s0 =	simm.s32 @!p2 $0x0  }
0x16: {  	s3 =	sld [smem:$0x3FDB];
	s0 =	simm.s32 @p2 $0x1  }
0x17: {  	s4 =	simm.s32 $0x1BF5;
	[smem:$0x3FB5] =	sst s0  }
0x18: {  	s0 =	sld [smem:$0x3F98];
	_ =	swait.ge [sflag:s4], $0x0  }
0x19: {  	s7 =	sld [smem:$0x3F99]  }
0x1a: {  	s8 =	sadd.s32 $0xFFFFE003, lr  }
0x1b: {  	s9 =	sadd.s32 $0xFFFFFEF7, lr;
	s5 =	simm.s32 $0xFFFFFFFF;
	p2 =	slt.u32 s8, $0xFFFFF086  }
0x1c: {  	p1 =	slt.u32 s9, $0xF7A;
	s5 =	simm.s32 @!p2 $0x0  }
0x1d: {  	s5 =	simm.s32 @p1 $0x1;
	p0 =	seq.s32 s7, s2  }
0x1e: {  	s7 =	smul.u32 @!p0 $0xF7A, s2;
	p2 =	seq.s32 @!p0 s5, $0x0  }
0x1f: {  	s9 =	smul.u32 $0xF7A, s1;
	s8 =	simm.s32 @!p0 $0x1BF5;
	p2 =	por !p2, p0  }
0x20: {  	[sflag:s8] =	ssyncset.s32 @!p0 $0xFFFFF086;
	s6 =	sadd.s32 @!p0 s3, s7;
	s7 =	simm.s32 @!p0 $0x108  }
0x21: {  	s3 =	sadd.s32 s3, s9;
	s6 =	sadd.s32 @!p0 $0x88, s6;
	s7 =	simm.s32 @p2 $0x1082  }
0x22: {  	[simem:s7], [sflag:s8] =	dma.local @!p0 [hbm:s6], $0xF7A  }
0x23: {  	s9 =	sor.u32 $0xD0000000, s2;
	s6 =	simm.s32 $0x108;
	_ =	swait.ge @!p0 [sflag:s8], $0x0  }
0x24: {  	s3 =	sadd.s32 $0x88, s3;
	s6 =	simm.s32 @!p1 $0x1082;
	[sflag:s4] =	ssyncset.s32 $0xFFFFF086  }
0x25: {  	[simem:s6], [sflag:s4] =	dma.local [hbm:s3], $0xF7A  }
0x26: {  	[smem:$0x3F99] =	sst s1;
	(tag) =	ssettag s2;
	_ =	strace s9  }
0x27: {  	s1 =	sld [smem:$0x3FA9]  }
0x28: {  	s2 =	sld [smem:$0x3FAA]  }
0x29: {  	s4 =	sld [smem:$0x3FAC]  }
0x2a: {  	p0 =	seq.s32 s5, $0x0;
	s5 =	sld [smem:$0x3FAD]  }
0x2b: {  	s6 =	sld [smem:$0x3FAE]  }
0x2c: {  	s7 =	sld [smem:$0x3FAF]  }
0x2d: {  	s3 =	simm.s32 $0x108;
	s8 =	sld [smem:$0x3FB0]  }
0x2e: {  	s3 =	simm.s32 @!p0 $0x1082;
	s9 =	sld [smem:$0x3FB1]  }
0x2f: {  	lr =	sadd.s32 s0, s3;
	s0 =	sld [smem:$0x3FA8]  }
0x30: {  	s3 =	sld [smem:$0x3FAB]  }
0x31: {  	[smem:$0x3FB4] =	sst s10  }
0x32: {  	s10 =	sld [smem:$0x3FB2];
	_ =	sdelay $0x3  }
0x33: {  	p0 =	seq.s32 s10, $0x1;
	s10 =	sld [smem:$0x3FB4];
	_ =	sdelay $0x3  }
0x34: {  	[smem:$0x3FB4] =	sst s10  }
0x35: {  	s10 =	sld [smem:$0x3FB3];
	_ =	sdelay $0x3  }
0x36: {  	p1 =	seq.s32 s10, $0x1;
	s10 =	sld [smem:$0x3FB4];
	_ =	sdelay $0x3  }
0x37: {  	[smem:$0x3FB4] =	sst s10  }
0x38: {  	s10 =	sld [smem:$0x3FB5]  }
0x39: {  	_ = 	snop;
	(pc) =	sbr.ind lr, $3  }
0x3a: {  	_ = 	snop  }
0x3b: {  	_ = 	snop  }
0x3c: {  	p2 =	seq.s32 s10, $0x1;
	s10 =	sld [smem:$0x3FB4]  }
0x3d: {  	_ =	shalt  }
0x3e: {  	_ =	shalt  }
0x3f: {  	_ =	shalt  }
0x40: {  	_ =	shalt  }
0x41: {  	_ =	shalt  }
0x42: {  	_ =	shalt  }
0x43: {  	_ =	shalt  }
0x44: {  	_ =	shalt  }
0x45: {  	_ =	shalt  }
0x46: {  	_ =	shalt  }
0x47: {  	_ =	shalt  }
0x48: {  	_ =	shalt  }
0x49: {  	_ =	shalt  }
0x4a: {  	_ =	shalt  }
0x4b: {  	_ =	shalt  }
0x4c: {  	_ =	shalt  }
0x4d: {  	_ =	shalt  }
0x4e: {  	_ =	shalt  }
0x4f: {  	_ =	shalt  }
0x50: {  	_ =	shalt  }
0x51: {  	_ =	shalt  }
0x52: {  	_ =	shalt  }
0x53: {  	_ =	shalt  }
0x54: {  	_ =	shalt  }
0x55: {  	_ =	shalt  }
0x56: {  	_ =	shalt  }
0x57: {  	_ =	shalt  }
0x58: {  	_ =	shalt  }
0x59: {  	_ =	shalt  }
0x5a: {  	_ =	shalt  }
0x5b: {  	_ =	shalt  }
0x5c: {  	_ =	shalt  }
0x5d: {  	_ =	shalt  }
0x5e: {  	_ =	shalt  }
0x5f: {  	_ =	shalt  }
0x60: {  	_ =	shalt  }
0x61: {  	_ =	shalt  }
0x62: {  	_ =	shalt  }
0x63: {  	_ =	shalt  }
0x64: {  	_ =	shalt  }
0x65: {  	_ =	shalt  }
0x66: {  	_ =	shalt  }
0x67: {  	_ =	shalt  }
0x68: {  	_ =	shalt  }
0x69: {  	_ =	shalt  }
0x6a: {  	_ =	shalt  }
0x6b: {  	_ =	shalt  }
0x6c: {  	_ =	shalt  }
0x6d: {  	_ =	shalt  }
0x6e: {  	_ =	shalt  }
0x6f: {  	_ =	shalt  }
0x70: {  	_ =	shalt  }
0x71: {  	_ =	shalt  }
0x72: {  	_ =	shalt  }
0x73: {  	_ =	shalt  }
0x74: {  	_ =	shalt  }
0x75: {  	_ =	shalt  }
0x76: {  	_ =	shalt  }
0x77: {  	_ =	shalt  }
0x78: {  	_ =	shalt  }
0x79: {  	_ =	shalt  }
0x7a: {  	_ =	shalt  }
0x7b: {  	_ =	shalt  }
0x7c: {  	_ =	shalt  }
0x7d: {  	_ =	shalt  }
0x7e: {  	_ =	shalt  }
0x7f: {  	_ =	shalt  }
0x80: {  	_ =	shalt  }
0x81: {  	_ =	shalt  }
0x82: {  	_ =	shalt  }
0x83: {  	_ =	shalt  }
0x84: {  	_ =	shalt  }
0x85: {  	_ =	shalt  }
0x86: {  	_ =	shalt  }
0x87: {  	_ =	shalt  }
.Lfunc_end0:
.L_simem_size_0:
called_computation.1_lowered:
.L_overlay_start_0:
0x88: {  	s2 =	sld [smem:$0x3FD9]  }
0x89: {  	s3 =	sld [smem:$0x3FFE];
	_ =	sdelay $0x1  }
0x8a: {  	s1 =	srdreg.scid  }
0x8b: {  	s0 =	sand.u32 $0x1, s1  }
0x8c: {  	s17 =	sshll.u32 s0, $0xA;
	s2 =	sadd.s32 s3, s2  }
0x8d: {  	s2 =	sadd.s32 s2, s17  }
0x8e: {  	[smem:$0x3FC0] =	sst s2  }
0x8f: {  	_ = 	snop  }
0x90: {  	s2 =	sld [smem:$0x3FD0];
	(tm) =	ssettm $0x1  }
0x91: {  	s18 =	sld [smem:$0x3FFB];
	_ =	sdelay $0x3  }
0x92: {  	_ =	strace s18  }
0x93: {  	s3 =	sld [smem:$0x3FFC];
	_ =	sdelay $0x3  }
0x94: {  	_ =	strace s3  }
0x95: {  	s3 =	sld [smem:$0x3FFD];
	_ =	sdelay $0x3  }
0x96: {  	_ =	strace s3  }
0x97: {  	_ =	strace $0x8FFFFFFF  }
0x98: {  	s19 =	sld [smem:$0x3FDB];
	_ =	sdelay $0x1  }
0x99: {  	s4 =	simm.s32 $_scs_section_size  }
0x9a: {  	s5 =	simm.s32 $_size__tile_overlayer_lowered;
	s6 =	simm.s32 $_tile_overlayer_lowered  }
0x9b: {  	s22 =	simm.s32 $0x1BFF;
	s21 =	sshll.u32 s6, $0x1;
	s3 =	sadd.s32 s4, s19  }
0x9c: {  	s7 =	simm.s32 $0x0;
	s20 =	sshll.u32 s5, $0x1;
	s5 =	sadd.s32 s21, s3  }
0x9d: {  	[timem:s7], [sflag:s22] =	dma.local [hbm:s5], s20  }
0x9e: {  	_ =	swait.ge [sflag:s22], s20  }
0x9f: {  	s4 =	ssub.s32 $0x0, s20;
	[sflag:s22] =	ssyncset.done $0x0  }
0xa0: {  	[sflag:s22] =	ssyncadd.s32 s4;
	_ =	sdelay $0x1  }
0xa1: {  	s23 =	simm.s32 $0x1B8B  }
0xa2: {  	_ =	swait.ge [sflag:s23], $0x1  }
0xa3: {  	[sflag:s23] =	ssyncset.done $0x0  }
0xa4: {  	s25 =	simm.s32 $0x1B8E;
	s24 =	sld [smem:$0x3FFE];
	[sflag:s23] =	ssyncadd.s32 $0xFFFFFFFF  }
0xa5: {  	s26 =	simm.s32 $execute0_lowered;
	[smem:$0x3FD2] =	sst s25  }
0xa6: {  	s5 =	sshll.u32 s26, $0x1;
	_ =	strace $0x80000049;
	[dreg:$0x1] =	wrdreg $0xFFFFFFFF  }
0xa7: {  	s28 =	simm.s32 $_size_execute0_lowered;
	s3 =	sadd.s32 s3, s5;
	[dreg:$0x0] =	wrdreg $0x0  }
0xa8: {  	s5 =	sshll.u32 s28, $0x1;
	[dreg:$0x2] =	wrdreg s3  }
0xa9: {  	[dreg:$0x3] =	wrdreg s5  }
0xaa: {  	[dreg:$0x4] =	wrdreg $0xC0  }
0xab: {  	_ =	task [dreg:s7], $0x5FFFF  }
0xac: {  	[dreg:$0x1] =	wrdreg $0xFFFFFFFF  }
0xad: {  	[dreg:$0x0] =	wrdreg $0x60  }
0xae: {  	[dreg:$0x2] =	wrdreg s24  }
0xaf: {  	[dreg:$0x3] =	wrdreg s2  }
0xb0: {  	[dreg:$0x4] =	wrdreg $0x18700  }
0xb1: {  	[dreg:$0x5] =	wrdreg $0x0  }
0xb2: {  	[dreg:$0x6] =	wrdreg $0x9  }
0xb3: {  	_ =	task.clear_ibuf [dreg:s7], $0x7FFFF;
	_ =	strace $0x90000049  }
0xb4: {  	s29 =	simm.s32 $0x9;
	_ =	strace $0x8000004B  }
0xb5: {  	_ =	swait.ge [sflag:s29], $0x1  }
0xb6: {  	[sflag:s29] =	ssyncadd.s32 $0xFFFFFFFF  }
0xb7: {  	_ =	strace $0x9000004B  }
0xb8: {  	_ =	sfence  }
0xb9: {  	s30 =	sld [smem:$0x0];
	_ =	sdelay $0x2  }
0xba: {  	s31 =	sshll.u32 s1, $0xD;
	s1 =	sshrl.u32 s1, $0x2  }
0xbb: {  	s3 =	sand.u32 $0x4000, s31;
	s1 =	sadd.s32 s1, s30  }
0xbc: {  	s0 =	sor.u32 s3, s0;
	s1 =	sshll.u32 s1, $0x11  }
0xbd: {  	s0 =	sor.u32 s1, s0  }
0xbe: {  	s0 =	sadd.s32 $0x8F2B, s0  }
0xbf: {  	[sflag:s0] =	ssyncadd.remote.s32 $0x1  }
0xc0: {  	_ =	sfence.sel $0xFFFF  }
0xc1: {  	[dreg:$0x0] =	wrdreg $0xFFFFFFFF;
	(pc) =	sbr.abs _section_cstart, $3  }
0xc2: {  	[dreg:$0x1] =	wrdreg $0xFFFFFFFF  }
0xc3: {  	_ =	task.clear_ibuf [dreg:s7], $0x2FFFF;
	_ =	strace $0x9FFFFFFF  }
0xc4: {  	(tm) =	ssettm $0x7FFFFFFF  }
0xc5: {  	_ =	shalt  }
tec
execute0_lowered:
.L_overlay_start_1:
0x0: {  	(tag) =	ssettag $0x1  }
0x1: {  	s0 =	rddreg [dreg:$0x0]  }
0x2: {  	s3 =	rddreg [dreg:$0x2]  }
0x3: {  	s4 =	rddreg [dreg:$0x3];
	s12 =	stileid.u32  }
0x4: {  	s5 =	simm.s32 $0x0;
	s2 =	srdreg.scid;
	s17 =	simm.s32 $0xD8E0  }
0x5: {  	s18 =	simm.s32 $0x4;
	s19 =	simm.s32 $0x30E0;
	s20 =	simm.s32 $0x4CE0  }
0x6: {  	s21 =	simm.s32 $0x1;
	s22 =	simm.s32 $0x80;
	s23 =	simm.s32 $0x84E0  }
0x7: {  	s24 =	simm.s32 $0xA0E0;
	s25 =	simm.s32 $0x2;
	s26 =	simm.s32 $0x3  }
0x8: {  	s28 =	simm.s32 $0x0;
	s29 =	simm.s32 $0x0;
	s1 =	smul.u32 $0x1870, s12  }
0x9: {  	[smem:$0x7FF] =	sst s5;
	s2 =	sand.u32 $0x1, s2;
	s6 =	sadd.s32 $0x5000, s0  }
0xa: {  	s7 =	sadd.s32 $0x67000, s0;
	_ =	strace $0x8000004A;
	s9 =	smul.u32 $0x18700, s2  }
0xb: {  	s31 =	ssub.s32 $0x2, s2;
	s2 =	sshll.u32 s2, $0x4;
	s8 =	sshrl.u32 s1, $0x3  }
0xc: {  	s11 =	sshrl.u32 s31, $0x1;
	s2 =	sor.u32 s12, s2;
	s10 =	sadd.s32 s8, s0  }
0xd: {  	s30 =	sadd.s32 s1, s9;
	s16 =	ssub.s32 s31, s11;
	s12 =	smul.u32 $0x3100, s2  }
0xe: {  	s2 =	smul.u32 $0x310, s2;
	s8 =	sshrl.u32 s30, $0x3;
	s9 =	sadd.s32 $0x1E00, s10  }
0xf: {  	s10 =	sadd.s32 s1, s4;
	s16 =	smax.u32 s16, $0x1;
	s0 =	sadd.s32 s8, s0  }
0x10: {  	s8 =	sadd.s32 s1, s3;
	s11 =	sadd.s32 s6, s12;
	s12 =	sadd.s32 s7, s12  }
0x11: {  	s13 =	sadd.s32 $0x38, s2;
	s14 =	sadd.s32 $0x70, s2;
	s15 =	sadd.s32 $0xC9600, s0  }
.LBB2_1:
0x12: {  	s0 =	rddreg [dreg:$0x1]  }
0x13: {  	[tilespmem:s17], [sflag:$0x4] =	stream.linear.gather [hbm4b:s0+s5], $0x1880, $0x38;
	[tilespmem:$0xF160] =	vst v63  }
0x14: {  	_ =	swait.ge [sflag:s18], $0x1880  }
0x15: {  	[sflag:s18] =	ssyncset.done $0x0  }
0x16: {  	[sflag:s18] =	ssyncadd.s32 $0xFFFFE780  }
0x17: {  	[spmem:s8] =	stream.linear.scatter [tilespmem:s17], [sflag:$0x4], $0x1870, $0x38;
	[tilespmem:$0xF160] =	vst v63  }
0x18: {  	_ =	swait.ge [sflag:s18], $0x1870  }
0x19: {  	[sflag:s18] =	ssyncset.done $0x0  }
0x1a: {  	[sflag:s18] =	ssyncadd.s32 $0xFFFFE790  }
0x1b: {  	[tilespmem:s17], [sflag:$0x4] =	stream.linear.gather [hbm4b:s9+s5], $0x1870, $0x38;
	[tilespmem:$0xF160] =	vst v63  }
0x1c: {  	_ =	swait.ge [sflag:s18], $0x1870  }
0x1d: {  	[sflag:s18] =	ssyncset.done $0x0  }
0x1e: {  	[sflag:s18] =	ssyncadd.s32 $0xFFFFE790  }
0x1f: {  	[spmem:s10] =	stream.linear.scatter [tilespmem:s17], [sflag:$0x4], $0x1870, $0x38;
	[tilespmem:$0xF160] =	vst v63  }
0x20: {  	_ =	swait.ge [sflag:s18], $0x1870  }
0x21: {  	[sflag:s18] =	ssyncset.done $0x0  }
0x22: {  	[sflag:s18] =	ssyncadd.s32 $0xFFFFE790  }
0x23: {  	[bflag:$0x0] =	sbarrier.arrive $0xFFFF  }
0x24: {  	[tilespmem:s19], [sflag:$0x1] =	stream.linear.gather [hbm4b:s11+s5], $0x1C00, $0x38;
	[tilespmem:$0xF160] =	vst v63  }
0x25: {  	_ = 	snop  }
0x26: {  	[tilespmem:s20], [sflag:$0x1] =	stream.linear.gather [hbm4b:s12+s5], $0x1C00, $0x38;
	[tilespmem:$0xF160] =	vst v63  }
0x27: {  	_ =	swait.ge [sflag:s21], $0x1C00  }
0x28: {  	[sflag:s21] =	ssyncset.done $0x0  }
0x29: {  	[sflag:s21] =	ssyncadd.s32 $0xFFFFE400  }
0x2a: {  	_ =	swait.ge [sflag:s21], $0x1C00  }
0x2b: {  	s30 =	simm.s32 $0x200;
	[sflag:s21] =	ssyncset.done $0x0  }
0x2c: {  	s1 =	simm.s32 $0x30E0;
	s0 =	simm.s32 $0x68E0;
	[sflag:s21] =	ssyncadd.s32 $0xFFFFE400  }
.LBB2_2:
0x2d: {  	[tilespmem:s0], [sflag:$0x2] =	stream.indirect.gather [spmem:s4], $0x1, s1, s22, $0xb8;
	[tilespmem:$0xF160] =	vst v63  }
0x2e: {  	s0 =	smov.u32 s30;
	p0 =	sne.s32 s30, $0x6E00  }
.Ltmp0:
0x2f: {  	s30 =	sadd.s32 $0x200, s30;
	(pc) =	sbr.rel @p0 .LBB2_2-.Ltmp0, $3  }
0x30: {  	_ =	sdelay $0x1  }
0x31: {  	s1 =	sshra.s32 s0, $0x2  }
0x32: {  	s0 =	sadd.s32 $0x68E0, s1;
	s1 =	sadd.s32 $0x30E0, s1  }
0x33: {  	[tilespmem:s0], [sflag:$0x2] =	stream.indirect.gather [spmem:s4], $0x1, s1, s22, $0xb8;
	[tilespmem:$0xF160] =	vst v63  }
0x34: {  	s30 =	simm.s32 $0x0  }
.LBB2_4:
0x35: {  	p0 =	seq.s32 s30, $0x0;
	s0 =	smul.u32 $0x70, s30  }
0x36: {  	s1 =	simm.s32 @!p0 $0x3  }
0x37: {  	_ =	swait.ge @!p0 [sflag:s1], $0x1C00;
	s0 =	sadd.s32 s0, s13  }
0x38: {  	[sflag:s1] =	ssyncset.done @!p0 $0x0;
	s0 =	sshll.u32 s0, $0x4  }
0x39: {  	[sflag:s1] =	ssyncadd.s32 @!p0 $0xFFFFE400;
	s2 =	sadd.s32 s6, s0  }
0x3a: {  	[tilespmem:s23], [sflag:$0x1] =	stream.linear.gather [hbm4b:s2+s29], $0x1C00, $0x38;
	[tilespmem:$0xF160] =	vst v63  }
0x3b: {  	s0 =	sadd.s32 s7, s0  }
0x3c: {  	[tilespmem:s24], [sflag:$0x1] =	stream.linear.gather [hbm4b:s0+s29], $0x1C00, $0x38;
	[tilespmem:$0xF160] =	vst v63  }
0x3d: {  	_ =	swait.ge [sflag:s25], $0x1C00  }
0x3e: {  	s31 =	sshll.u32 s30, $0x1;
	s1 =	simm.s32 $0x68E0;
	[sflag:s25] =	ssyncset.done $0x0  }
0x3f: {  	s2 =	simm.s32 $0x4CE0;
	s0 =	simm.s32 $0x200;
	[sflag:s25] =	ssyncadd.s32 $0xFFFFE400  }
.LBB2_5:
0x40: {  	[spmem:s3] =	stream.indirect.scatter.add.f32 [tilespmem:s1], [sflag:$0x3], $0x1, s2, s22, $0xb8;
	[tilespmem:$0xF160] =	vst v63  }
0x41: {  	s1 =	smov.u32 s0;
	p0 =	sne.s32 s0, $0x6E00  }
.Ltmp1:
0x42: {  	s0 =	sadd.s32 $0x200, s0;
	(pc) =	sbr.rel @p0 .LBB2_5-.Ltmp1, $3  }
0x43: {  	_ =	sdelay $0x1  }
0x44: {  	s2 =	sshra.s32 s1, $0x2  }
0x45: {  	s1 =	sadd.s32 $0x68E0, s2;
	s2 =	sadd.s32 $0x4CE0, s2  }
0x46: {  	[spmem:s3] =	stream.indirect.scatter.add.f32 [tilespmem:s1], [sflag:$0x3], $0x1, s2, s22, $0xb8;
	[tilespmem:$0xF160] =	vst v63  }
0x47: {  	_ =	swait.ge [sflag:s21], $0x1C00  }
0x48: {  	[sflag:s21] =	ssyncset.done $0x0  }
0x49: {  	[sflag:s21] =	ssyncadd.s32 $0xFFFFE400  }
0x4a: {  	_ =	swait.ge [sflag:s21], $0x1C00  }
0x4b: {  	s0 =	simm.s32 $0x200;
	[sflag:s21] =	ssyncset.done $0x0  }
0x4c: {  	s1 =	simm.s32 $0xBCE0;
	s2 =	simm.s32 $0x84E0;
	[sflag:s21] =	ssyncadd.s32 $0xFFFFE400  }
.LBB2_7:
0x4d: {  	[tilespmem:s1], [sflag:$0x2] =	stream.indirect.gather [spmem:s4], $0x1, s2, s22, $0xb8;
	[tilespmem:$0xF160] =	vst v63  }
0x4e: {  	s1 =	smov.u32 s0;
	p0 =	sne.s32 s0, $0x6E00  }
.Ltmp2:
0x4f: {  	s0 =	sadd.s32 $0x200, s0;
	(pc) =	sbr.rel @p0 .LBB2_7-.Ltmp2, $3  }
0x50: {  	_ =	sdelay $0x1  }
0x51: {  	s2 =	sshra.s32 s1, $0x2  }
0x52: {  	s1 =	sadd.s32 $0xBCE0, s2;
	s2 =	sadd.s32 $0x84E0, s2  }
0x53: {  	s0 =	smin.u32 s31, $0xB  }
0x54: {  	s0 =	smul.u32 $0x38, s0  }
0x55: {  	[tilespmem:s1], [sflag:$0x2] =	stream.indirect.gather [spmem:s4], $0x1, s2, s22, $0xb8;
	[tilespmem:$0xF160] =	vst v63  }
0x56: {  	_ =	swait.ge [sflag:s26], $0x1C00;
	s0 =	sadd.s32 s0, s14  }
0x57: {  	[sflag:s26] =	ssyncset.done $0x0;
	s0 =	sshll.u32 s0, $0x4  }
0x58: {  	s31 =	simm.s32 $0x0;
	[sflag:s26] =	ssyncadd.s32 $0xFFFFE400;
	s2 =	sadd.s32 s6, s0  }
0x59: {  	[tilespmem:s19], [sflag:$0x1] =	stream.linear.gather [hbm4b:s2+s31], $0x1C00, $0x38;
	[tilespmem:$0xF160] =	vst v63  }
0x5a: {  	s0 =	sadd.s32 s7, s0  }
0x5b: {  	[tilespmem:s20], [sflag:$0x1] =	stream.linear.gather [hbm4b:s0+s31], $0x1C00, $0x38;
	[tilespmem:$0xF160] =	vst v63  }
0x5c: {  	_ =	swait.ge [sflag:s25], $0x1C00  }
0x5d: {  	s1 =	simm.s32 $0xBCE0;
	[sflag:s25] =	ssyncset.done $0x0  }
0x5e: {  	s2 =	simm.s32 $0xA0E0;
	s0 =	simm.s32 $0x200;
	[sflag:s25] =	ssyncadd.s32 $0xFFFFE400  }
.LBB2_9:
0x5f: {  	[spmem:s3] =	stream.indirect.scatter.add.f32 [tilespmem:s1], [sflag:$0x3], $0x1, s2, s22, $0xb8;
	[tilespmem:$0xF160] =	vst v63  }
0x60: {  	s1 =	smov.u32 s0;
	p0 =	sne.s32 s0, $0x6E00  }
.Ltmp3:
0x61: {  	s0 =	sadd.s32 $0x200, s0;
	(pc) =	sbr.rel @p0 .LBB2_9-.Ltmp3, $3  }
0x62: {  	_ =	sdelay $0x1  }
0x63: {  	s2 =	sshra.s32 s1, $0x2  }
0x64: {  	s1 =	sadd.s32 $0xBCE0, s2;
	s2 =	sadd.s32 $0xA0E0, s2  }
0x65: {  	[spmem:s3] =	stream.indirect.scatter.add.f32 [tilespmem:s1], [sflag:$0x3], $0x1, s2, s22, $0xb8;
	[tilespmem:$0xF160] =	vst v63  }
0x66: {  	_ =	swait.ge [sflag:s21], $0x1C00  }
0x67: {  	[sflag:s21] =	ssyncset.done $0x0  }
0x68: {  	[sflag:s21] =	ssyncadd.s32 $0xFFFFE400  }
0x69: {  	_ =	swait.ge [sflag:s21], $0x1C00  }
0x6a: {  	s0 =	simm.s32 $0x200;
	[sflag:s21] =	ssyncset.done $0x0  }
0x6b: {  	s1 =	simm.s32 $0x68E0;
	s2 =	simm.s32 $0x30E0;
	[sflag:s21] =	ssyncadd.s32 $0xFFFFE400  }
.LBB2_11:
0x6c: {  	[tilespmem:s1], [sflag:$0x2] =	stream.indirect.gather [spmem:s4], $0x1, s2, s22, $0xb8;
	[tilespmem:$0xF160] =	vst v63  }
0x6d: {  	s1 =	smov.u32 s0;
	p0 =	sne.s32 s0, $0x6E00  }
.Ltmp4:
0x6e: {  	s0 =	sadd.s32 $0x200, s0;
	(pc) =	sbr.rel @p0 .LBB2_11-.Ltmp4, $3  }
0x6f: {  	_ =	sdelay $0x1  }
0x70: {  	s2 =	sshra.s32 s1, $0x2  }
0x71: {  	s1 =	sadd.s32 $0x68E0, s2;
	s2 =	sadd.s32 $0x30E0, s2  }
0x72: {  	s30 =	sadd.s32 $0x1, s30  }
0x73: {  	p0 =	sne.s32 s30, $0x7  }
.Ltmp5:
0x74: {  	_ = 	snop;
	(pc) =	sbr.rel @p0 .LBB2_4-.Ltmp5, $2  }
0x75: {  	_ =	sdelay $0x2  }
0x76: {  	[tilespmem:s1], [sflag:$0x2] =	stream.indirect.gather [spmem:s4], $0x1, s2, s22, $0xb8;
	[tilespmem:$0xF160] =	vst v63  }
0x77: {  	_ =	swait.ge [sflag:s26], $0x1C00  }
0x78: {  	[sflag:s26] =	ssyncset.done $0x0  }
0x79: {  	[sflag:s26] =	ssyncadd.s32 $0xFFFFE400  }
0x7a: {  	_ =	swait.ge [sflag:s25], $0x1C00  }
0x7b: {  	[sflag:s25] =	ssyncset.done $0x0  }
0x7c: {  	[sflag:s25] =	ssyncadd.s32 $0xFFFFE400  }
0x7d: {  	[bflag:$0x0] =	sbarrier.arrive $0xFFFF  }
0x7e: {  	[tilespmem:s17], [sflag:$0x4] =	stream.linear.gather [spmem:s8], $0x1870, $0x38;
	[tilespmem:$0xF160] =	vst v63  }
0x7f: {  	s28 =	sadd.s32 $0x1, s28;
	_ =	swait.ge [sflag:s18], $0x1870  }
0x80: {  	p0 =	sne.s32 s28, s16;
	[sflag:s18] =	ssyncset.done $0x0  }
.Ltmp6:
0x81: {  	[sflag:s18] =	ssyncadd.s32 $0xFFFFE790;
	(pc) =	sbr.rel @p0 .LBB2_1-.Ltmp6, $4  }
0x82: {  	[hbm4b:s15+s5] =	stream.linear.scatter [tilespmem:s17], [sflag:$0x4], $0x1870, $0x38;
	[tilespmem:$0xF160] =	vst v63  }
0x83: {  	_ =	swait.ge [sflag:s18], $0x1870  }
0x84: {  	[sflag:s18] =	ssyncset.done $0x0  }
0x85: {  	[sflag:s18] =	ssyncadd.s32 $0xFFFFE790  }
0x86: {  	_ =	sfence.sel $0x180000  }
0x87: {  	[bflag:$0x0] =	sbarrier.arrive $0xFFFF  }
0x88: {  	_ =	strace $0x9000004A  }
0x89: {  	s0 =	stileid.u32;
	[bflag:$0x2] =	sbarrier.arrive $0xFFFF  }
0x8a: {  	p0 =	sne.s32 s0, $0x0;
	s0 =	rddreg [dreg:$0x4]  }
0x8b: {  	s0 =	sadd.s32 @!p0 $0x100000, s0  }
0x8c: {  	[sflag:s0] =	ssyncadd.tile.s32 @!p0 $0x1;
	_ =	shalt  }
.Lfunc_end2:
_tile_overlayer_lowered:
.L_overlay_start_2:
0x8d: {  	(tag) =	ssettag $0x2  }
0x8e: {  	s0 =	rddreg [dreg:$0x0];
	s2 =	stileid.u32  }
0x8f: {  	s1 =	rddreg [dreg:$0x1];
	p0 =	sne.s32 s2, $0x0  }
0x90: {  	s3 =	rddreg [dreg:$0x2];
	[bflag:$0x3] =	sbarrier.arrive $0xFFFF;
	s2 =	simm.s32 @!p0 $0x1C04  }
0x91: {  	[timem:s3], [sflag:s2] =	dma.local @!p0 [hbm:s0], s1  }
0x92: {  	s0 =	simm.s32 @!p0 $0x4  }
0x93: {  	_ =	swait.ge @!p0 [sflag:s0], s1  }
0x94: {  	s1 =	ssub.s32 @!p0 $0x0, s1;
	[sflag:s0] =	ssyncset.done @!p0 $0x0  }
0x95: {  	[sflag:s0] =	ssyncadd.s32 @!p0 s1  }
0x96: {  	[bflag:$0x3] =	sbarrier.arrive $0xFFFF  }
0x97: {  	_ =	shalt  }

</sc_bundles>
